<compile_context>
chip_gen: v7x
topology: tpu7x:2x2x1
jax: 0.10.2.dev20260603
libtpu: 0.0.44.dev20260713+nightly
codegen_flags: <defaults>
</compile_context>

<pallas_src>
import functools

import jax
import jax.numpy as jnp
from jax import lax
from jax.experimental import pallas as pl
from jax.experimental.pallas import tpu as pltpu
from jax.experimental.pallas import tpu_sc as plsc

WINDOW_SIZE = 128
WL = 2 * WINDOW_SIZE + 1
TWO_STD_SQ = 2.0 * (WINDOW_SIZE / 2.0) ** 2

_DOT = functools.partial(
    jax.lax.dot_general,
    preferred_element_type=jnp.float32,
)

_NW = 32
_WLP = 288
_RPW = 8 * _WLP // _NW


def _k0_body(dec_ref, w1_ref, b1_ref, w2_ref, b2_ref, len_ref, idx_ref,
             x_v, sem):
    Tn = dec_ref.shape[0]
    cp = pltpu.make_async_copy(dec_ref.at[Tn - 1], x_v, sem)
    cp.start()
    cp.wait()
    x = x_v[...]
    g = _DOT(x, w1_ref[...], (((1,), (1,)), ((), ())))
    t1 = jnp.tanh(g + b1_ref[...])
    z = _DOT(t1, w2_ref[...], (((1,), (1,)), ((), ())))[:, 0:1]
    sig = jax.nn.sigmoid(z + b2_ref[0])
    st = jnp.round(len_ref[...] * sig).astype(jnp.int32)
    B = st.shape[0]
    iw = jax.lax.broadcasted_iota(jnp.int32, (B, _WLP), 1)
    ib = jax.lax.broadcasted_iota(jnp.int32, (B, _WLP), 0)
    idx_ref[...] = jnp.where(iw < WL, (st + iw) * B + ib, 0)


def _sc_gather_body(idx_hbm, enc_hbm, out_hbm, idx_v, rows_v, sem):
    wid = lax.axis_index("s") * 2 + lax.axis_index("c")
    base = wid * _RPW
    pltpu.sync_copy(idx_hbm.at[pl.ds(base, _RPW)], idx_v)
    pltpu.async_copy(enc_hbm.at[idx_v], rows_v, sem).wait()
    pltpu.sync_copy(rows_v, out_hbm.at[pl.ds(base, _RPW)])


def _att_body(len_ref, dec_ref, sel_ref, w1_ref, b1_ref, w2_ref,
              b2_ref, out_ref, ht_v, out_v, sem_ht, sem_out):
    b = pl.program_id(0)
    nb = pl.num_programs(0)
    B = nb

    def ht_copy(bb):
        return pltpu.make_async_copy(
            dec_ref.at[:, bb, :], ht_v.at[bb], sem_ht.at[bb])

    def out_copy(bb):
        return pltpu.make_async_copy(
            out_v.at[bb % 2], out_ref.at[:, bb, :], sem_out.at[bb % 2])

    @pl.when(b == 0)
    def _():
        for bb in range(B):
            ht_copy(bb).start()

    ht_copy(b).wait()
    ht = ht_v[b]
    g = _DOT(ht, w1_ref[...], (((1,), (1,)), ((), ())))
    t1 = jnp.tanh(g + b1_ref[...])
    z = _DOT(t1, w2_ref[...], (((1,), (1,)), ((), ())))[:, 0:1]
    sig = jax.nn.sigmoid(z + b2_ref[0])
    length = len_ref[b].astype(jnp.float32)
    p = WINDOW_SIZE + length * sig
    ws = jnp.round(p - WINDOW_SIZE).astype(jnp.int32)

    T = ht.shape[0]
    iw = jax.lax.broadcasted_iota(jnp.int32, (T, WL), 1)
    pos = ws.astype(jnp.float32) + iw.astype(jnp.float32)
    gauss = jnp.exp(-((pos - p) ** 2) / TWO_STD_SQ)

    sel = sel_ref[0][:WL]
    score = _DOT(ht, sel, (((1,), (1,)), ((), ())))
    left = iw < (WINDOW_SIZE - ws)
    right = iw >= (len_ref[b] + WINDOW_SIZE - ws)
    score = jnp.where(left | right, jnp.float32(1e-14), score)
    m = jnp.max(score, axis=1, keepdims=True)
    e = jnp.exp(score - m)
    a = (e / jnp.sum(e, axis=1, keepdims=True)) * gauss

    @pl.when(b >= 2)
    def _():
        out_copy(b - 2).wait()

    c = _DOT(a[:, :WL - 1], sel[:WL - 1],
             (((1,), (0,)), ((), ())))
    c = c + a[:, WL - 1:WL] * sel[WL - 1:WL, :]
    out_v[b % 2] = c
    out_copy(b).start()

    @pl.when(b == nb - 1)
    def _():
        out_copy(b - 1).wait()
        out_copy(b).wait()


def kernel(encoder_output, decoder_output, lengths, fc1_w, fc1_b, fc2_w,
           fc2_b, T, batch_size, output_weights):
    S, B, H = encoder_output.shape
    Tn = decoder_output.shape[0]
    H2 = fc1_w.shape[0]

    b1 = fc1_b.reshape(1, H2)
    w2 = jnp.zeros((8, H2), jnp.float32).at[0].set(fc2_w.reshape(H2))
    b2 = fc2_b.reshape(1)
    len_f = lengths.astype(jnp.float32).reshape(B, 1)

    idx = pl.pallas_call(
        _k0_body,
        out_shape=jax.ShapeDtypeStruct((B, _WLP), jnp.int32),
        in_specs=[
            pl.BlockSpec(memory_space=pl.ANY),
            pl.BlockSpec(memory_space=pltpu.VMEM),
            pl.BlockSpec(memory_space=pltpu.VMEM),
            pl.BlockSpec(memory_space=pltpu.VMEM),
            pl.BlockSpec(memory_space=pltpu.SMEM),
            pl.BlockSpec(memory_space=pltpu.VMEM),
        ],
        out_specs=pl.BlockSpec(memory_space=pltpu.VMEM),
        scratch_shapes=[
            pltpu.VMEM((B, H), jnp.float32),
            pltpu.SemaphoreType.DMA,
        ],
    )(decoder_output, fc1_w, b1, w2, b2, len_f)

    enc2d = encoder_output.reshape(S * B, H)

    sc_gather = functools.partial(
        pl.kernel,
        out_type=jax.ShapeDtypeStruct((B * _WLP, H), jnp.float32),
        mesh=plsc.VectorSubcoreMesh(core_axis_name="c", subcore_axis_name="s"),
        scratch_types=[
            pltpu.VMEM((_RPW,), jnp.int32),
            pltpu.VMEM((_RPW, H), jnp.float32),
            pltpu.SemaphoreType.DMA,
        ],
    )(_sc_gather_body)
    sel_flat = sc_gather(idx.reshape(B * _WLP), enc2d)
    selection = sel_flat.reshape(B, _WLP, H)

    out = pl.pallas_call(
        _att_body,
        grid=(B,),
        in_specs=[
            pl.BlockSpec(memory_space=pltpu.SMEM),
            pl.BlockSpec(memory_space=pl.ANY),
            pl.BlockSpec((1, _WLP, H), lambda b: (b, 0, 0)),
            pl.BlockSpec(memory_space=pltpu.VMEM),
            pl.BlockSpec(memory_space=pltpu.VMEM),
            pl.BlockSpec(memory_space=pltpu.VMEM),
            pl.BlockSpec(memory_space=pltpu.SMEM),
        ],
        out_specs=pl.BlockSpec(memory_space=pl.ANY),
        out_shape=jax.ShapeDtypeStruct((Tn, B, H), jnp.float32),
        scratch_shapes=[
            pltpu.VMEM((B, Tn, H), jnp.float32),
            pltpu.VMEM((2, Tn, H), jnp.float32),
            pltpu.SemaphoreType.DMA((B,)),
            pltpu.SemaphoreType.DMA((2,)),
        ],
    )(lengths, decoder_output, selection, fc1_w, b1, w2, b2)
    return out

# --- scband reference (transcript-rebuilt; emitter-appended) ---
"""Pipeline reference for scband-model-14448269984014 (READ-ONLY COPY).

The authoritative reference and input builder live on the scoring server;
editing this copy changes nothing except your own understanding.
"""

import jax, jax.numpy as jnp
import numpy as np

WINDOW_SIZE = 128
HIDDEN = 1024
WL = 2 * WINDOW_SIZE + 1
STD_SQ = (WINDOW_SIZE / 2.0) ** 2


def setup_inputs(seed: int = 0):
    key = jax.random.key(seed)
    ks = jax.random.split(key, 7)
    B, T, L = 8, 512, 2048
    S = L + WL
    H2 = 512
    encoder_output = jax.random.normal(ks[0], (S, B, HIDDEN), dtype=jnp.float32)
    decoder_output = jax.random.normal(ks[1], (T, B, HIDDEN), dtype=jnp.float32)
    lengths = jax.random.randint(ks[2], (B,), 0, 2048)
    fc1_w = jax.random.normal(ks[3], (H2, HIDDEN), dtype=jnp.float32) * 0.02
    fc1_b = jax.random.normal(ks[4], (H2,), dtype=jnp.float32) * 0.02
    fc2_w = jax.random.normal(ks[5], (1, H2), dtype=jnp.float32) * 0.02
    fc2_b = jax.random.normal(ks[6], (1,), dtype=jnp.float32) * 0.02
    return {"encoder_output": encoder_output, "decoder_output": decoder_output, "lengths": lengths, "fc1_w": fc1_w, "fc1_b": fc1_b, "fc2_w": fc2_w, "fc2_b": fc2_b, "T": T, "batch_size": B, "output_weights": 0}


def _forward(encoder_output, decoder_output, fc1_w, fc1_b, fc2_w, fc2_b, lengths, T, batch_size):
    Ts, Bs = decoder_output.shape[0], decoder_output.shape[1]
    dep_zero = (jnp.asarray(T) - Ts) + (jnp.asarray(batch_size) - Bs)
    h_s = jnp.transpose(encoder_output, (1, 0, 2))
    h_t = jnp.transpose(decoder_output, (1, 0, 2))
    p = jnp.tanh(h_t @ fc1_w.T + fc1_b)
    p = jax.nn.sigmoid(p @ fc2_w.T + fc2_b)
    p = p.reshape(Bs, Ts) + dep_zero.astype(jnp.float32)
    p = WINDOW_SIZE + lengths.astype(jnp.float32)[:, None] * p
    p = p[:, :, None]
    window_start = jnp.round(p - WINDOW_SIZE).astype(jnp.int32)
    positions = window_start.astype(jnp.float32) + jnp.arange(WL, dtype=jnp.float32)[None, None, :]
    # Faithful to the original: selection[i] is overwritten each inner iteration,
    # so the surviving window per batch element is the one for j = T-1.
    start_last = window_start[:, Ts - 1, 0]
    selection = jax.vmap(lambda hs_i, st: jax.lax.dynamic_slice(hs_i, (st, 0), (WL, HIDDEN)))(h_s, start_last)
    gaussian = jnp.exp(-((positions - p) ** 2) / (2.0 * STD_SQ))
    score = jnp.einsum('bth,bwh->btw', h_t, selection)
    start2 = window_start[:, :, 0]
    iw = jnp.arange(WL)[None, None, :]
    left = iw < (WINDOW_SIZE - start2)[:, :, None]
    right = iw >= (lengths[:, None].astype(jnp.int32) + WINDOW_SIZE - start2)[:, :, None]
    score = jnp.where(left | right, jnp.float32(1e-14), score)
    a = jax.nn.softmax(score, axis=2) * gaussian
    c = jnp.einsum('btw,bwh->bth', a, selection)
    return jnp.transpose(c, (1, 0, 2))


def reference(encoder_output, decoder_output, lengths, fc1_w, fc1_b, fc2_w, fc2_b, T, batch_size, output_weights):
    return _forward(encoder_output, decoder_output, fc1_w, fc1_b, fc2_w, fc2_b, lengths, T, batch_size)

if __name__ == "__main__":
    import jax
    _d = setup_inputs()
    print(jax.jit(kernel)(*tuple(_d.values())))

</pallas_src>

<mosaic_0001>
#map = affine_map<(d0, d1) -> (0)>
#map1 = affine_map<(d0, d1) -> (0, 0)>
module attributes {stable_mosaic.version = 14 : i64} {
  func.func @_sc_gather_body(%arg0: i32, %arg1: i32, %arg2: memref<2304xi32, #tpu.memory_space<hbm>>, %arg3: memref<18440x1024xf32, #tpu.memory_space<hbm>>, %arg4: memref<2304x1024xf32, #tpu.memory_space<hbm>>, %arg5: memref<72xi32, #tpu.memory_space<vmem>>, %arg6: memref<72x1024xf32, #tpu.memory_space<vmem>>, %arg7: memref<!tpu.dma_semaphore, #tpu.memory_space<semaphore_mem>>) attributes {dimension_semantics = [#tpu.dimension_semantics<core_parallel>, #tpu.dimension_semantics<subcore_parallel>], iteration_bounds = array<i64: 2, 16>, scalar_prefetch = 0 : i64, scratch_operands = 3 : i64, tpu.core_type = #tpu.core_type<sc_vector_subcore>, window_params = [{transform_indices = #map}, {transform_indices = #map1}, {transform_indices = #map1}]} {
    %mul3A = arith.constant 2 : i32
    %mul3A_0 = arith.muli %arg1, %mul3A : i32
    %add3A = arith.addi %mul3A_0, %arg0 : i32
    %mul3A_1 = arith.constant 72 : i32
    %mul3A_2 = arith.muli %add3A, %mul3A_1 : i32
    "tpu.region"() ({
      %run_scoped3A = tpu.sem_alloc : memref<!tpu.dma_semaphore, #tpu.memory_space<semaphore_mem>>
      %dma_start3A_7 = tpu.memref_slice %arg2[%mul3A_2] : memref<2304xi32, #tpu.memory_space<hbm>> -> memref<72xi32, #tpu.memory_space<hbm>>
      %dma_start3A_8 = tpu.memref_slice %arg2[%mul3A_2] : memref<2304xi32, #tpu.memory_space<hbm>> -> memref<72xi32, #tpu.memory_space<hbm>>
      tpu.enqueue_dma source(%dma_start3A_8 : memref<72xi32, #tpu.memory_space<hbm>>) target(%arg5 : memref<72xi32, #tpu.memory_space<vmem>>) target_semaphore(%run_scoped3A : memref<!tpu.dma_semaphore, #tpu.memory_space<semaphore_mem>>)
      %dma_wait3A_9 = tpu.memref_slice %arg2[%mul3A_2] : memref<2304xi32, #tpu.memory_space<hbm>> -> memref<72xi32, #tpu.memory_space<hbm>>
      %dma_wait3A_10 = tpu.memref_slice %arg2[%mul3A_2] : memref<2304xi32, #tpu.memory_space<hbm>> -> memref<72xi32, #tpu.memory_space<hbm>>
      tpu.wait_dma2 semaphore(%run_scoped3A : memref<!tpu.dma_semaphore, #tpu.memory_space<semaphore_mem>>) src(%dma_wait3A_10 : memref<72xi32, #tpu.memory_space<hbm>>) dst(%arg5 : memref<72xi32, #tpu.memory_space<vmem>>)
      tpu.yield
    }) : () -> ()
    %dma_start3A = arith.constant 0 : i32
    %dma_start3A_3 = arith.constant 0 : i32
    %dma_start3A_4 = tpu.memref_slice %arg3[%dma_start3A, %dma_start3A_3] : memref<18440x1024xf32, #tpu.memory_space<hbm>> -> memref<18440x1024xf32, #tpu.memory_space<hbm>>
    tpu.enqueue_indirect_dma source(%dma_start3A_4 : memref<18440x1024xf32, #tpu.memory_space<hbm>>) target(%arg6 : memref<72x1024xf32, #tpu.memory_space<vmem>>) offsets(%arg5 : memref<72xi32, #tpu.memory_space<vmem>>) semaphore(%arg7 : memref<!tpu.dma_semaphore, #tpu.memory_space<semaphore_mem>>)
    %dma_wait3A = arith.constant 0 : i32
    %dma_wait3A_5 = arith.constant 0 : i32
    %dma_wait3A_6 = tpu.memref_slice %arg3[%dma_wait3A, %dma_wait3A_5] : memref<18440x1024xf32, #tpu.memory_space<hbm>> -> memref<18440x1024xf32, #tpu.memory_space<hbm>>
    tpu.wait_indirect_dma semaphore(%arg7 : memref<!tpu.dma_semaphore, #tpu.memory_space<semaphore_mem>>) src(%dma_wait3A_6 : memref<18440x1024xf32, #tpu.memory_space<hbm>>) dst(%arg6 : memref<72x1024xf32, #tpu.memory_space<vmem>>)
    "tpu.region"() ({
      %run_scoped3A = tpu.sem_alloc : memref<!tpu.dma_semaphore, #tpu.memory_space<semaphore_mem>>
      %dma_start3A_7 = arith.constant 0 : i32
      %dma_start3A_8 = tpu.memref_slice %arg4[%mul3A_2, %dma_start3A_7] : memref<2304x1024xf32, #tpu.memory_space<hbm>> -> memref<72x1024xf32, #tpu.memory_space<hbm>>
      %dma_start3A_9 = arith.constant 0 : i32
      %dma_start3A_10 = tpu.memref_slice %arg4[%mul3A_2, %dma_start3A_9] : memref<2304x1024xf32, #tpu.memory_space<hbm>> -> memref<72x1024xf32, #tpu.memory_space<hbm>>
      tpu.enqueue_dma source(%arg6 : memref<72x1024xf32, #tpu.memory_space<vmem>>) target(%dma_start3A_10 : memref<72x1024xf32, #tpu.memory_space<hbm>>) target_semaphore(%run_scoped3A : memref<!tpu.dma_semaphore, #tpu.memory_space<semaphore_mem>>)
      %dma_wait3A_11 = arith.constant 0 : i32
      %dma_wait3A_12 = tpu.memref_slice %arg4[%mul3A_2, %dma_wait3A_11] : memref<2304x1024xf32, #tpu.memory_space<hbm>> -> memref<72x1024xf32, #tpu.memory_space<hbm>>
      %dma_wait3A_13 = arith.constant 0 : i32
      %dma_wait3A_14 = tpu.memref_slice %arg4[%mul3A_2, %dma_wait3A_13] : memref<2304x1024xf32, #tpu.memory_space<hbm>> -> memref<72x1024xf32, #tpu.memory_space<hbm>>
      tpu.wait_dma2 semaphore(%run_scoped3A : memref<!tpu.dma_semaphore, #tpu.memory_space<semaphore_mem>>) src(%arg6 : memref<72x1024xf32, #tpu.memory_space<vmem>>) dst(%dma_wait3A_14 : memref<72x1024xf32, #tpu.memory_space<hbm>>)
      tpu.yield
    }) : () -> ()
    return
  }
}

module attributes {stable_mosaic.version = 14 : i64} {
  func.func @_k0_body(%arg0: memref<512x8x1024xf32, #tpu.memory_space<any>>, %arg1: memref<512x1024xf32, #tpu.memory_space<vmem>>, %arg2: memref<1x512xf32, #tpu.memory_space<vmem>>, %arg3: memref<8x512xf32, #tpu.memory_space<vmem>>, %arg4: memref<1xf32, #tpu.memory_space<smem>>, %arg5: memref<8x1xf32, #tpu.memory_space<vmem>>, %arg6: memref<8x288xi32, #tpu.memory_space<vmem>>, %arg7: memref<8x1024xf32, #tpu.memory_space<vmem>>, %arg8: memref<!tpu.dma_semaphore, #tpu.memory_space<semaphore_mem>>) attributes {dimension_semantics = [], scalar_prefetch = 0 : i64, scratch_operands = 2 : i64, tpu.core_type = #tpu.core_type<tc>} {
    %dma_start3A = arith.constant 511 : i32
    %dma_start3A_0 = arith.constant 0 : i32
    %dma_start3A_1 = arith.constant 0 : i32
    %dma_start3A_2 = tpu.memref_slice %arg0[%dma_start3A, %dma_start3A_0, %dma_start3A_1] : memref<512x8x1024xf32, #tpu.memory_space<any>> -> memref<1x8x1024xf32, #tpu.memory_space<any>>
    %dma_start3A_3 = tpu.memref_squeeze %dma_start3A_2 : memref<1x8x1024xf32, #tpu.memory_space<any>> -> memref<8x1024xf32, #tpu.memory_space<any>>
    tpu.enqueue_dma source(%dma_start3A_3 : memref<8x1024xf32, #tpu.memory_space<any>>) target(%arg7 : memref<8x1024xf32, #tpu.memory_space<vmem>>) target_semaphore(%arg8 : memref<!tpu.dma_semaphore, #tpu.memory_space<semaphore_mem>>)
    %dma_wait3A = arith.constant 511 : i32
    %dma_wait3A_4 = arith.constant 0 : i32
    %dma_wait3A_5 = arith.constant 0 : i32
    %dma_wait3A_6 = tpu.memref_slice %arg0[%dma_wait3A, %dma_wait3A_4, %dma_wait3A_5] : memref<512x8x1024xf32, #tpu.memory_space<any>> -> memref<1x8x1024xf32, #tpu.memory_space<any>>
    %dma_wait3A_7 = tpu.memref_squeeze %dma_wait3A_6 : memref<1x8x1024xf32, #tpu.memory_space<any>> -> memref<8x1024xf32, #tpu.memory_space<any>>
    tpu.wait_dma2 semaphore(%arg8 : memref<!tpu.dma_semaphore, #tpu.memory_space<semaphore_mem>>) src(%dma_wait3A_7 : memref<8x1024xf32, #tpu.memory_space<any>>) dst(%arg7 : memref<8x1024xf32, #tpu.memory_space<vmem>>)
    %get3A = arith.constant 0 : index
    %get3A_8 = arith.constant 0 : index
    %get3A_9 = vector.load %arg7[%get3A, %get3A_8] : memref<8x1024xf32, #tpu.memory_space<vmem>>, vector<8x1024xf32>
    %get3A_10 = arith.constant 0 : index
    %get3A_11 = arith.constant 0 : index
    %get3A_12 = vector.load %arg1[%get3A_10, %get3A_11] : memref<512x1024xf32, #tpu.memory_space<vmem>>, vector<512x1024xf32>
    %dot_general3A = arith.constant dense<0.000000e+00> : vector<8x512xf32>
    %dot_general3A_13 = tpu.matmul %get3A_9, %get3A_12, %dot_general3A {dimension_numbers = #tpu.dot_dimension_numbers<[1], [1], [0], [0], [0, 0, 1, 0], [], []>, transpose_lhs_hint = false} : vector<8x1024xf32>, vector<512x1024xf32>, vector<8x512xf32> -> vector<8x512xf32>
    %get3A_14 = arith.constant 0 : index
    %get3A_15 = arith.constant 0 : index
    %get3A_16 = vector.load %arg2[%get3A_14, %get3A_15] : memref<1x512xf32, #tpu.memory_space<vmem>>, vector<1x512xf32>
    %add3A = vector.broadcast %get3A_16 : vector<1x512xf32> to vector<8x512xf32>
    %add3A_17 = arith.addf %dot_general3A_13, %add3A : vector<8x512xf32>
    %tanh3A = math.tanh %add3A_17 : vector<8x512xf32>
    %get3A_18 = arith.constant 0 : index
    %get3A_19 = arith.constant 0 : index
    %get3A_20 = vector.load %arg3[%get3A_18, %get3A_19] : memref<8x512xf32, #tpu.memory_space<vmem>>, vector<8x512xf32>
    %dot_general3A_21 = arith.constant dense<0.000000e+00> : vector<8x8xf32>
    %dot_general3A_22 = tpu.matmul %tanh3A, %get3A_20, %dot_general3A_21 {dimension_numbers = #tpu.dot_dimension_numbers<[1], [1], [0], [0], [0, 0, 1, 0], [], []>, transpose_lhs_hint = false} : vector<8x512xf32>, vector<8x512xf32>, vector<8x8xf32> -> vector<8x8xf32>
    %slice3A = vector.extract_strided_slice %dot_general3A_22 {offsets = [0, 0], sizes = [8, 1], strides = [1, 1]} : vector<8x8xf32> to vector<8x1xf32>
    %get3A_23 = arith.constant 0 : index
    %get3A_24 = memref.load %arg4[%get3A_23] : memref<1xf32, #tpu.memory_space<smem>>
    %add3A_25 = vector.broadcast %get3A_24 : f32 to vector<8x1xf32>
    %add3A_26 = arith.addf %slice3A, %add3A_25 : vector<8x1xf32>
    %logistic3A = arith.negf %add3A_26 : vector<8x1xf32>
    %logistic3A_27 = math.exp %logistic3A : vector<8x1xf32>
    %logistic3A_28 = arith.constant 1.000000e+00 : f32
    %logistic3A_29 = vector.broadcast %logistic3A_28 : f32 to vector<8x1xf32>
    %logistic3A_30 = arith.addf %logistic3A_29, %logistic3A_27 : vector<8x1xf32>
    %logistic3A_31 = arith.divf %logistic3A_29, %logistic3A_30 : vector<8x1xf32>
    %get3A_32 = arith.constant 0 : index
    %get3A_33 = arith.constant 0 : index
    %get3A_34 = vector.load %arg5[%get3A_32, %get3A_33] : memref<8x1xf32, #tpu.memory_space<vmem>>, vector<8x1xf32>
    %mul3A = arith.mulf %get3A_34, %logistic3A_31 : vector<8x1xf32>
    %round3A = math.roundeven %mul3A : vector<8x1xf32>
    %convert_element_type3A = arith.fptosi %round3A : vector<8x1xf32> to vector<8x1xi32>
    %iota3A = tpu.iota {dimensions = array<i32: 1>} : vector<8x288xi32>
    %iota3A_35 = tpu.iota {dimensions = array<i32: 0>} : vector<8x288xi32>
    %lt3A = arith.constant 257 : i32
    %lt3A_36 = vector.broadcast %lt3A : i32 to vector<8x288xi32>
    %lt3A_37 = arith.cmpi slt, %iota3A, %lt3A_36 : vector<8x288xi32>
    %add3A_38 = vector.broadcast %convert_element_type3A : vector<8x1xi32> to vector<8x288xi32>
    %add3A_39 = arith.addi %add3A_38, %iota3A : vector<8x288xi32>
    %mul3A_40 = arith.constant 8 : i32
    %mul3A_41 = vector.broadcast %mul3A_40 : i32 to vector<8x288xi32>
    %mul3A_42 = arith.muli %add3A_39, %mul3A_41 : vector<8x288xi32>
    %add3A_43 = arith.addi %mul3A_42, %iota3A_35 : vector<8x288xi32>
    %jit3A = arith.constant 0 : i32
    %broadcast_in_dim3A = vector.broadcast %jit3A : i32 to vector<8x288xi32>
    %select_n3A = arith.select %lt3A_37, %add3A_43, %broadcast_in_dim3A : vector<8x288xi1>, vector<8x288xi32>
    %swap3A = arith.constant 0 : index
    %swap3A_44 = arith.constant 0 : index
    %swap3A_45 = vector.load %arg6[%swap3A, %swap3A_44] : memref<8x288xi32, #tpu.memory_space<vmem>>, vector<8x288xi32>
    tpu.vector_store %arg6[%swap3A, %swap3A_44], %select_n3A {strides = array<i32>} : memref<8x288xi32, #tpu.memory_space<vmem>>, vector<8x288xi32>,
    return
  }
}

module attributes {stable_mosaic.version = 14 : i64} {
  func.func @_att_body(%arg0: i32, %arg1: memref<8xi32, #tpu.memory_space<smem>>, %arg2: memref<512x8x1024xf32, #tpu.memory_space<any>>, %arg3: memref<1x288x1024xf32, #tpu.memory_space<vmem>>, %arg4: memref<512x1024xf32, #tpu.memory_space<vmem>>, %arg5: memref<1x512xf32, #tpu.memory_space<vmem>>, %arg6: memref<8x512xf32, #tpu.memory_space<vmem>>, %arg7: memref<1xf32, #tpu.memory_space<smem>>, %arg8: memref<512x8x1024xf32, #tpu.memory_space<any>>, %arg9: memref<8x512x1024xf32, #tpu.memory_space<vmem>>, %arg10: memref<2x512x1024xf32, #tpu.memory_space<vmem>>, %arg11: memref<8x!tpu.dma_semaphore, #tpu.memory_space<semaphore_mem>>, %arg12: memref<2x!tpu.dma_semaphore, #tpu.memory_space<semaphore_mem>>) attributes {dimension_semantics = [#tpu.dimension_semantics<arbitrary>], iteration_bounds = array<i64: 8>, scalar_prefetch = 0 : i64, scratch_operands = 4 : i64, tpu.core_type = #tpu.core_type<tc>, window_params = [{transform_indices = @transform_0, window_bounds = array<i64: 8>}, {}, {transform_indices = @transform_2, window_bounds = array<i64: 1, 288, 1024>}, {pipeline_mode = #tpu.pipeline_mode<synchronous>, transform_indices = @transform_3, window_bounds = array<i64: 512, 1024>}, {pipeline_mode = #tpu.pipeline_mode<synchronous>, transform_indices = @transform_4, window_bounds = array<i64: 1, 512>}, {pipeline_mode = #tpu.pipeline_mode<synchronous>, transform_indices = @transform_5, window_bounds = array<i64: 8, 512>}, {transform_indices = @transform_6, window_bounds = array<i64: 1>}, {}]} {
    %eq3A = arith.constant 0 : i32
    %eq3A_0 = arith.cmpi eq, %arg0, %eq3A : i32
    %convert_element_type3A = arith.extui %eq3A_0 : i1 to i32
    %cond3A = arith.constant 0 : i32
    %cond3A_1 = arith.cmpi ne, %convert_element_type3A, %cond3A : i32
    scf.if %cond3A_1 {
      %dma_start3A_165 = arith.constant 0 : i32
      %dma_start3A_166 = arith.constant 0 : i32
      %dma_start3A_167 = arith.constant 0 : i32
      %dma_start3A_168 = tpu.memref_slice %arg11[%dma_start3A_167] : memref<8x!tpu.dma_semaphore, #tpu.memory_space<semaphore_mem>> -> memref<1x!tpu.dma_semaphore, #tpu.memory_space<semaphore_mem>>
      %dma_start3A_169 = tpu.memref_squeeze %dma_start3A_168 : memref<1x!tpu.dma_semaphore, #tpu.memory_space<semaphore_mem>> -> memref<!tpu.dma_semaphore, #tpu.memory_space<semaphore_mem>>
      %dma_start3A_170 = arith.constant 0 : i32
      %dma_start3A_171 = arith.constant 0 : i32
      %dma_start3A_172 = tpu.memref_slice %arg9[%dma_start3A_166, %dma_start3A_170, %dma_start3A_171] : memref<8x512x1024xf32, #tpu.memory_space<vmem>> -> memref<1x512x1024xf32, #tpu.memory_space<vmem>>
      %dma_start3A_173 = tpu.memref_squeeze %dma_start3A_172 : memref<1x512x1024xf32, #tpu.memory_space<vmem>> -> memref<512x1024xf32, #tpu.memory_space<vmem>>
      %dma_start3A_174 = arith.constant 0 : i32
      %dma_start3A_175 = arith.constant 0 : i32
      %dma_start3A_176 = tpu.memref_slice %arg2[%dma_start3A_174, %dma_start3A_165, %dma_start3A_175] : memref<512x8x1024xf32, #tpu.memory_space<any>> -> memref<512x1x1024xf32, #tpu.memory_space<any>>
      %dma_start3A_177 = tpu.memref_squeeze %dma_start3A_176 : memref<512x1x1024xf32, #tpu.memory_space<any>> -> memref<512x1024xf32, #tpu.memory_space<any>>
      tpu.enqueue_dma source(%dma_start3A_177 : memref<512x1024xf32, #tpu.memory_space<any>>) target(%dma_start3A_173 : memref<512x1024xf32, #tpu.memory_space<vmem>>) target_semaphore(%dma_start3A_169 : memref<!tpu.dma_semaphore, #tpu.memory_space<semaphore_mem>>)
      %dma_start3A_178 = arith.constant 1 : i32
      %dma_start3A_179 = arith.constant 1 : i32
      %dma_start3A_180 = arith.constant 1 : i32
      %dma_start3A_181 = tpu.memref_slice %arg11[%dma_start3A_180] : memref<8x!tpu.dma_semaphore, #tpu.memory_space<semaphore_mem>> -> memref<1x!tpu.dma_semaphore, #tpu.memory_space<semaphore_mem>>
      %dma_start3A_182 = tpu.memref_squeeze %dma_start3A_181 : memref<1x!tpu.dma_semaphore, #tpu.memory_space<semaphore_mem>> -> memref<!tpu.dma_semaphore, #tpu.memory_space<semaphore_mem>>
      %dma_start3A_183 = arith.constant 0 : i32
      %dma_start3A_184 = arith.constant 0 : i32
      %dma_start3A_185 = tpu.memref_slice %arg9[%dma_start3A_179, %dma_start3A_183, %dma_start3A_184] : memref<8x512x1024xf32, #tpu.memory_space<vmem>> -> memref<1x512x1024xf32, #tpu.memory_space<vmem>>
      %dma_start3A_186 = tpu.memref_squeeze %dma_start3A_185 : memref<1x512x1024xf32, #tpu.memory_space<vmem>> -> memref<512x1024xf32, #tpu.memory_space<vmem>>
      %dma_start3A_187 = arith.constant 0 : i32
      %dma_start3A_188 = arith.constant 0 : i32
      %dma_start3A_189 = tpu.memref_slice %arg2[%dma_start3A_187, %dma_start3A_178, %dma_start3A_188] : memref<512x8x1024xf32, #tpu.memory_space<any>> -> memref<512x1x1024xf32, #tpu.memory_space<any>>
      %dma_start3A_190 = tpu.memref_squeeze %dma_start3A_189 : memref<512x1x1024xf32, #tpu.memory_space<any>> -> memref<512x1024xf32, #tpu.memory_space<any>>
      tpu.enqueue_dma source(%dma_start3A_190 : memref<512x1024xf32, #tpu.memory_space<any>>) target(%dma_start3A_186 : memref<512x1024xf32, #tpu.memory_space<vmem>>) target_semaphore(%dma_start3A_182 : memref<!tpu.dma_semaphore, #tpu.memory_space<semaphore_mem>>)
      %dma_start3A_191 = arith.constant 2 : i32
      %dma_start3A_192 = arith.constant 2 : i32
      %dma_start3A_193 = arith.constant 2 : i32
      %dma_start3A_194 = tpu.memref_slice %arg11[%dma_start3A_193] : memref<8x!tpu.dma_semaphore, #tpu.memory_space<semaphore_mem>> -> memref<1x!tpu.dma_semaphore, #tpu.memory_space<semaphore_mem>>
      %dma_start3A_195 = tpu.memref_squeeze %dma_start3A_194 : memref<1x!tpu.dma_semaphore, #tpu.memory_space<semaphore_mem>> -> memref<!tpu.dma_semaphore, #tpu.memory_space<semaphore_mem>>
      %dma_start3A_196 = arith.constant 0 : i32
      %dma_start3A_197 = arith.constant 0 : i32
      %dma_start3A_198 = tpu.memref_slice %arg9[%dma_start3A_192, %dma_start3A_196, %dma_start3A_197] : memref<8x512x1024xf32, #tpu.memory_space<vmem>> -> memref<1x512x1024xf32, #tpu.memory_space<vmem>>
      %dma_start3A_199 = tpu.memref_squeeze %dma_start3A_198 : memref<1x512x1024xf32, #tpu.memory_space<vmem>> -> memref<512x1024xf32, #tpu.memory_space<vmem>>
      %dma_start3A_200 = arith.constant 0 : i32
      %dma_start3A_201 = arith.constant 0 : i32
      %dma_start3A_202 = tpu.memref_slice %arg2[%dma_start3A_200, %dma_start3A_191, %dma_start3A_201] : memref<512x8x1024xf32, #tpu.memory_space<any>> -> memref<512x1x1024xf32, #tpu.memory_space<any>>
      %dma_start3A_203 = tpu.memref_squeeze %dma_start3A_202 : memref<512x1x1024xf32, #tpu.memory_space<any>> -> memref<512x1024xf32, #tpu.memory_space<any>>
      tpu.enqueue_dma source(%dma_start3A_203 : memref<512x1024xf32, #tpu.memory_space<any>>) target(%dma_start3A_199 : memref<512x1024xf32, #tpu.memory_space<vmem>>) target_semaphore(%dma_start3A_195 : memref<!tpu.dma_semaphore, #tpu.memory_space<semaphore_mem>>)
      %dma_start3A_204 = arith.constant 3 : i32
      %dma_start3A_205 = arith.constant 3 : i32
      %dma_start3A_206 = arith.constant 3 : i32
      %dma_start3A_207 = tpu.memref_slice %arg11[%dma_start3A_206] : memref<8x!tpu.dma_semaphore, #tpu.memory_space<semaphore_mem>> -> memref<1x!tpu.dma_semaphore, #tpu.memory_space<semaphore_mem>>
      %dma_start3A_208 = tpu.memref_squeeze %dma_start3A_207 : memref<1x!tpu.dma_semaphore, #tpu.memory_space<semaphore_mem>> -> memref<!tpu.dma_semaphore, #tpu.memory_space<semaphore_mem>>
      %dma_start3A_209 = arith.constant 0 : i32
      %dma_start3A_210 = arith.constant 0 : i32
      %dma_start3A_211 = tpu.memref_slice %arg9[%dma_start3A_205, %dma_start3A_209, %dma_start3A_210] : memref<8x512x1024xf32, #tpu.memory_space<vmem>> -> memref<1x512x1024xf32, #tpu.memory_space<vmem>>
      %dma_start3A_212 = tpu.memref_squeeze %dma_start3A_211 : memref<1x512x1024xf32, #tpu.memory_space<vmem>> -> memref<512x1024xf32, #tpu.memory_space<vmem>>
      %dma_start3A_213 = arith.constant 0 : i32
      %dma_start3A_214 = arith.constant 0 : i32
      %dma_start3A_215 = tpu.memref_slice %arg2[%dma_start3A_213, %dma_start3A_204, %dma_start3A_214] : memref<512x8x1024xf32, #tpu.memory_space<any>> -> memref<512x1x1024xf32, #tpu.memory_space<any>>
      %dma_start3A_216 = tpu.memref_squeeze %dma_start3A_215 : memref<512x1x1024xf32, #tpu.memory_space<any>> -> memref<512x1024xf32, #tpu.memory_space<any>>
      tpu.enqueue_dma source(%dma_start3A_216 : memref<512x1024xf32, #tpu.memory_space<any>>) target(%dma_start3A_212 : memref<512x1024xf32, #tpu.memory_space<vmem>>) target_semaphore(%dma_start3A_208 : memref<!tpu.dma_semaphore, #tpu.memory_space<semaphore_mem>>)
      %dma_start3A_217 = arith.constant 4 : i32
      %dma_start3A_218 = arith.constant 4 : i32
      %dma_start3A_219 = arith.constant 4 : i32
      %dma_start3A_220 = tpu.memref_slice %arg11[%dma_start3A_219] : memref<8x!tpu.dma_semaphore, #tpu.memory_space<semaphore_mem>> -> memref<1x!tpu.dma_semaphore, #tpu.memory_space<semaphore_mem>>
      %dma_start3A_221 = tpu.memref_squeeze %dma_start3A_220 : memref<1x!tpu.dma_semaphore, #tpu.memory_space<semaphore_mem>> -> memref<!tpu.dma_semaphore, #tpu.memory_space<semaphore_mem>>
      %dma_start3A_222 = arith.constant 0 : i32
      %dma_start3A_223 = arith.constant 0 : i32
      %dma_start3A_224 = tpu.memref_slice %arg9[%dma_start3A_218, %dma_start3A_222, %dma_start3A_223] : memref<8x512x1024xf32, #tpu.memory_space<vmem>> -> memref<1x512x1024xf32, #tpu.memory_space<vmem>>
      %dma_start3A_225 = tpu.memref_squeeze %dma_start3A_224 : memref<1x512x1024xf32, #tpu.memory_space<vmem>> -> memref<512x1024xf32, #tpu.memory_space<vmem>>
      %dma_start3A_226 = arith.constant 0 : i32
      %dma_start3A_227 = arith.constant 0 : i32
      %dma_start3A_228 = tpu.memref_slice %arg2[%dma_start3A_226, %dma_start3A_217, %dma_start3A_227] : memref<512x8x1024xf32, #tpu.memory_space<any>> -> memref<512x1x1024xf32, #tpu.memory_space<any>>
      %dma_start3A_229 = tpu.memref_squeeze %dma_start3A_228 : memref<512x1x1024xf32, #tpu.memory_space<any>> -> memref<512x1024xf32, #tpu.memory_space<any>>
      tpu.enqueue_dma source(%dma_start3A_229 : memref<512x1024xf32, #tpu.memory_space<any>>) target(%dma_start3A_225 : memref<512x1024xf32, #tpu.memory_space<vmem>>) target_semaphore(%dma_start3A_221 : memref<!tpu.dma_semaphore, #tpu.memory_space<semaphore_mem>>)
      %dma_start3A_230 = arith.constant 5 : i32
      %dma_start3A_231 = arith.constant 5 : i32
      %dma_start3A_232 = arith.constant 5 : i32
      %dma_start3A_233 = tpu.memref_slice %arg11[%dma_start3A_232] : memref<8x!tpu.dma_semaphore, #tpu.memory_space<semaphore_mem>> -> memref<1x!tpu.dma_semaphore, #tpu.memory_space<semaphore_mem>>
      %dma_start3A_234 = tpu.memref_squeeze %dma_start3A_233 : memref<1x!tpu.dma_semaphore, #tpu.memory_space<semaphore_mem>> -> memref<!tpu.dma_semaphore, #tpu.memory_space<semaphore_mem>>
      %dma_start3A_235 = arith.constant 0 : i32
      %dma_start3A_236 = arith.constant 0 : i32
      %dma_start3A_237 = tpu.memref_slice %arg9[%dma_start3A_231, %dma_start3A_235, %dma_start3A_236] : memref<8x512x1024xf32, #tpu.memory_space<vmem>> -> memref<1x512x1024xf32, #tpu.memory_space<vmem>>
      %dma_start3A_238 = tpu.memref_squeeze %dma_start3A_237 : memref<1x512x1024xf32, #tpu.memory_space<vmem>> -> memref<512x1024xf32, #tpu.memory_space<vmem>>
      %dma_start3A_239 = arith.constant 0 : i32
      %dma_start3A_240 = arith.constant 0 : i32
      %dma_start3A_241 = tpu.memref_slice %arg2[%dma_start3A_239, %dma_start3A_230, %dma_start3A_240] : memref<512x8x1024xf32, #tpu.memory_space<any>> -> memref<512x1x1024xf32, #tpu.memory_space<any>>
      %dma_start3A_242 = tpu.memref_squeeze %dma_start3A_241 : memref<512x1x1024xf32, #tpu.memory_space<any>> -> memref<512x1024xf32, #tpu.memory_space<any>>
      tpu.enqueue_dma source(%dma_start3A_242 : memref<512x1024xf32, #tpu.memory_space<any>>) target(%dma_start3A_238 : memref<512x1024xf32, #tpu.memory_space<vmem>>) target_semaphore(%dma_start3A_234 : memref<!tpu.dma_semaphore, #tpu.memory_space<semaphore_mem>>)
      %dma_start3A_243 = arith.constant 6 : i32
      %dma_start3A_244 = arith.constant 6 : i32
      %dma_start3A_245 = arith.constant 6 : i32
      %dma_start3A_246 = tpu.memref_slice %arg11[%dma_start3A_245] : memref<8x!tpu.dma_semaphore, #tpu.memory_space<semaphore_mem>> -> memref<1x!tpu.dma_semaphore, #tpu.memory_space<semaphore_mem>>
      %dma_start3A_247 = tpu.memref_squeeze %dma_start3A_246 : memref<1x!tpu.dma_semaphore, #tpu.memory_space<semaphore_mem>> -> memref<!tpu.dma_semaphore, #tpu.memory_space<semaphore_mem>>
      %dma_start3A_248 = arith.constant 0 : i32
      %dma_start3A_249 = arith.constant 0 : i32
      %dma_start3A_250 = tpu.memref_slice %arg9[%dma_start3A_244, %dma_start3A_248, %dma_start3A_249] : memref<8x512x1024xf32, #tpu.memory_space<vmem>> -> memref<1x512x1024xf32, #tpu.memory_space<vmem>>
      %dma_start3A_251 = tpu.memref_squeeze %dma_start3A_250 : memref<1x512x1024xf32, #tpu.memory_space<vmem>> -> memref<512x1024xf32, #tpu.memory_space<vmem>>
      %dma_start3A_252 = arith.constant 0 : i32
      %dma_start3A_253 = arith.constant 0 : i32
      %dma_start3A_254 = tpu.memref_slice %arg2[%dma_start3A_252, %dma_start3A_243, %dma_start3A_253] : memref<512x8x1024xf32, #tpu.memory_space<any>> -> memref<512x1x1024xf32, #tpu.memory_space<any>>
      %dma_start3A_255 = tpu.memref_squeeze %dma_start3A_254 : memref<512x1x1024xf32, #tpu.memory_space<any>> -> memref<512x1024xf32, #tpu.memory_space<any>>
      tpu.enqueue_dma source(%dma_start3A_255 : memref<512x1024xf32, #tpu.memory_space<any>>) target(%dma_start3A_251 : memref<512x1024xf32, #tpu.memory_space<vmem>>) target_semaphore(%dma_start3A_247 : memref<!tpu.dma_semaphore, #tpu.memory_space<semaphore_mem>>)
      %dma_start3A_256 = arith.constant 7 : i32
      %dma_start3A_257 = arith.constant 7 : i32
      %dma_start3A_258 = arith.constant 7 : i32
      %dma_start3A_259 = tpu.memref_slice %arg11[%dma_start3A_258] : memref<8x!tpu.dma_semaphore, #tpu.memory_space<semaphore_mem>> -> memref<1x!tpu.dma_semaphore, #tpu.memory_space<semaphore_mem>>
      %dma_start3A_260 = tpu.memref_squeeze %dma_start3A_259 : memref<1x!tpu.dma_semaphore, #tpu.memory_space<semaphore_mem>> -> memref<!tpu.dma_semaphore, #tpu.memory_space<semaphore_mem>>
      %dma_start3A_261 = arith.constant 0 : i32
      %dma_start3A_262 = arith.constant 0 : i32
      %dma_start3A_263 = tpu.memref_slice %arg9[%dma_start3A_257, %dma_start3A_261, %dma_start3A_262] : memref<8x512x1024xf32, #tpu.memory_space<vmem>> -> memref<1x512x1024xf32, #tpu.memory_space<vmem>>
      %dma_start3A_264 = tpu.memref_squeeze %dma_start3A_263 : memref<1x512x1024xf32, #tpu.memory_space<vmem>> -> memref<512x1024xf32, #tpu.memory_space<vmem>>
      %dma_start3A_265 = arith.constant 0 : i32
      %dma_start3A_266 = arith.constant 0 : i32
      %dma_start3A_267 = tpu.memref_slice %arg2[%dma_start3A_265, %dma_start3A_256, %dma_start3A_266] : memref<512x8x1024xf32, #tpu.memory_space<any>> -> memref<512x1x1024xf32, #tpu.memory_space<any>>
      %dma_start3A_268 = tpu.memref_squeeze %dma_start3A_267 : memref<512x1x1024xf32, #tpu.memory_space<any>> -> memref<512x1024xf32, #tpu.memory_space<any>>
      tpu.enqueue_dma source(%dma_start3A_268 : memref<512x1024xf32, #tpu.memory_space<any>>) target(%dma_start3A_264 : memref<512x1024xf32, #tpu.memory_space<vmem>>) target_semaphore(%dma_start3A_260 : memref<!tpu.dma_semaphore, #tpu.memory_space<semaphore_mem>>)
    } else {
    }
    %dma_wait3A = tpu.memref_slice %arg11[%arg0] : memref<8x!tpu.dma_semaphore, #tpu.memory_space<semaphore_mem>> -> memref<1x!tpu.dma_semaphore, #tpu.memory_space<semaphore_mem>>
    %dma_wait3A_2 = tpu.memref_squeeze %dma_wait3A : memref<1x!tpu.dma_semaphore, #tpu.memory_space<semaphore_mem>> -> memref<!tpu.dma_semaphore, #tpu.memory_space<semaphore_mem>>
    %dma_wait3A_3 = arith.constant 0 : i32
    %dma_wait3A_4 = arith.constant 0 : i32
    %dma_wait3A_5 = tpu.memref_slice %arg9[%arg0, %dma_wait3A_3, %dma_wait3A_4] : memref<8x512x1024xf32, #tpu.memory_space<vmem>> -> memref<1x512x1024xf32, #tpu.memory_space<vmem>>
    %dma_wait3A_6 = tpu.memref_squeeze %dma_wait3A_5 : memref<1x512x1024xf32, #tpu.memory_space<vmem>> -> memref<512x1024xf32, #tpu.memory_space<vmem>>
    %dma_wait3A_7 = arith.constant 0 : i32
    %dma_wait3A_8 = arith.constant 0 : i32
    %dma_wait3A_9 = tpu.memref_slice %arg2[%dma_wait3A_7, %arg0, %dma_wait3A_8] : memref<512x8x1024xf32, #tpu.memory_space<any>> -> memref<512x1x1024xf32, #tpu.memory_space<any>>
    %dma_wait3A_10 = tpu.memref_squeeze %dma_wait3A_9 : memref<512x1x1024xf32, #tpu.memory_space<any>> -> memref<512x1024xf32, #tpu.memory_space<any>>
    tpu.wait_dma2 semaphore(%dma_wait3A_2 : memref<!tpu.dma_semaphore, #tpu.memory_space<semaphore_mem>>) src(%dma_wait3A_10 : memref<512x1024xf32, #tpu.memory_space<any>>) dst(%dma_wait3A_6 : memref<512x1024xf32, #tpu.memory_space<vmem>>)
    %get3A = arith.index_cast %arg0 : i32 to index
    %get3A_11 = arith.constant 0 : index
    %get3A_12 = arith.constant 0 : index
    %get3A_13 = vector.load %arg9[%get3A, %get3A_11, %get3A_12] : memref<8x512x1024xf32, #tpu.memory_space<vmem>>, vector<1x512x1024xf32>
    %get3A_14 = vector.shape_cast %get3A_13 : vector<1x512x1024xf32> to vector<512x1024xf32>
    %get3A_15 = arith.constant 0 : index
    %get3A_16 = arith.constant 0 : index
    %get3A_17 = vector.load %arg4[%get3A_15, %get3A_16] : memref<512x1024xf32, #tpu.memory_space<vmem>>, vector<512x1024xf32>
    %dot_general3A = arith.constant dense<0.000000e+00> : vector<512x512xf32>
    %dot_general3A_18 = tpu.matmul %get3A_14, %get3A_17, %dot_general3A {dimension_numbers = #tpu.dot_dimension_numbers<[1], [1], [0], [0], [0, 0, 1, 0], [], []>, transpose_lhs_hint = false} : vector<512x1024xf32>, vector<512x1024xf32>, vector<512x512xf32> -> vector<512x512xf32>
    %get3A_19 = arith.constant 0 : index
    %get3A_20 = arith.constant 0 : index
    %get3A_21 = vector.load %arg5[%get3A_19, %get3A_20] : memref<1x512xf32, #tpu.memory_space<vmem>>, vector<1x512xf32>
    %add3A = vector.broadcast %get3A_21 : vector<1x512xf32> to vector<512x512xf32>
    %add3A_22 = arith.addf %dot_general3A_18, %add3A : vector<512x512xf32>
    %tanh3A = math.tanh %add3A_22 : vector<512x512xf32>
    %get3A_23 = arith.constant 0 : index
    %get3A_24 = arith.constant 0 : index
    %get3A_25 = vector.load %arg6[%get3A_23, %get3A_24] : memref<8x512xf32, #tpu.memory_space<vmem>>, vector<8x512xf32>
    %dot_general3A_26 = arith.constant dense<0.000000e+00> : vector<512x8xf32>
    %dot_general3A_27 = tpu.matmul %tanh3A, %get3A_25, %dot_general3A_26 {dimension_numbers = #tpu.dot_dimension_numbers<[1], [1], [0], [0], [0, 0, 1, 0], [], []>, transpose_lhs_hint = false} : vector<512x512xf32>, vector<8x512xf32>, vector<512x8xf32> -> vector<512x8xf32>
    %slice3A = vector.extract_strided_slice %dot_general3A_27 {offsets = [0, 0], sizes = [512, 1], strides = [1, 1]} : vector<512x8xf32> to vector<512x1xf32>
    %get3A_28 = arith.constant 0 : index
    %get3A_29 = memref.load %arg7[%get3A_28] : memref<1xf32, #tpu.memory_space<smem>>
    %add3A_30 = vector.broadcast %get3A_29 : f32 to vector<512x1xf32>
    %add3A_31 = arith.addf %slice3A, %add3A_30 : vector<512x1xf32>
    %logistic3A = arith.negf %add3A_31 : vector<512x1xf32>
    %logistic3A_32 = math.exp %logistic3A : vector<512x1xf32>
    %logistic3A_33 = arith.constant 1.000000e+00 : f32
    %logistic3A_34 = vector.broadcast %logistic3A_33 : f32 to vector<512x1xf32>
    %logistic3A_35 = arith.addf %logistic3A_34, %logistic3A_32 : vector<512x1xf32>
    %logistic3A_36 = arith.divf %logistic3A_34, %logistic3A_35 : vector<512x1xf32>
    %get3A_37 = arith.index_cast %arg0 : i32 to index
    %get3A_38 = memref.load %arg1[%get3A_37] : memref<8xi32, #tpu.memory_space<smem>>
    %convert_element_type3A_39 = arith.sitofp %get3A_38 : i32 to f32
    %mul3A = vector.broadcast %convert_element_type3A_39 : f32 to vector<512x1xf32>
    %mul3A_40 = arith.mulf %mul3A, %logistic3A_36 : vector<512x1xf32>
    %add3A_41 = arith.constant 1.280000e+02 : f32
    %add3A_42 = vector.broadcast %add3A_41 : f32 to vector<512x1xf32>
    %add3A_43 = arith.addf %add3A_42, %mul3A_40 : vector<512x1xf32>
    %sub3A = arith.constant 1.280000e+02 : f32
    %sub3A_44 = vector.broadcast %sub3A : f32 to vector<512x1xf32>
    %sub3A_45 = arith.subf %add3A_43, %sub3A_44 : vector<512x1xf32>
    %round3A = math.roundeven %sub3A_45 : vector<512x1xf32>
    %convert_element_type3A_46 = arith.fptosi %round3A : vector<512x1xf32> to vector<512x1xi32>
    %iota3A = tpu.iota {dimensions = array<i32: 1>} : vector<512x257xi32>
    %convert_element_type3A_47 = arith.sitofp %convert_element_type3A_46 : vector<512x1xi32> to vector<512x1xf32>
    %convert_element_type3A_48 = arith.sitofp %iota3A : vector<512x257xi32> to vector<512x257xf32>
    %add3A_49 = vector.broadcast %convert_element_type3A_47 : vector<512x1xf32> to vector<512x257xf32>
    %add3A_50 = arith.addf %add3A_49, %convert_element_type3A_48 : vector<512x257xf32>
    %sub3A_51 = vector.broadcast %add3A_43 : vector<512x1xf32> to vector<512x257xf32>
    %sub3A_52 = arith.subf %add3A_50, %sub3A_51 : vector<512x257xf32>
    %integer_pow3A = arith.mulf %sub3A_52, %sub3A_52 : vector<512x257xf32>
    %neg3A = arith.constant 0.000000e+00 : f32
    %neg3A_53 = vector.broadcast %neg3A : f32 to vector<512x257xf32>
    %neg3A_54 = arith.subf %neg3A_53, %integer_pow3A : vector<512x257xf32>
    %div3A = arith.constant 8.192000e+03 : f32
    %div3A_55 = vector.broadcast %div3A : f32 to vector<512x257xf32>
    %div3A_56 = arith.divf %neg3A_54, %div3A_55 : vector<512x257xf32>
    %exp3A = math.exp %div3A_56 : vector<512x257xf32>
    %get3A_57 = arith.constant 0 : index
    %get3A_58 = arith.constant 0 : index
    %get3A_59 = arith.constant 0 : index
    %get3A_60 = vector.load %arg3[%get3A_57, %get3A_58, %get3A_59] : memref<1x288x1024xf32, #tpu.memory_space<vmem>>, vector<1x288x1024xf32>
    %get3A_61 = vector.shape_cast %get3A_60 : vector<1x288x1024xf32> to vector<288x1024xf32>
    %slice3A_62 = vector.extract_strided_slice %get3A_61 {offsets = [0, 0], sizes = [257, 1024], strides = [1, 1]} : vector<288x1024xf32> to vector<257x1024xf32>
    %dot_general3A_63 = arith.constant dense<0.000000e+00> : vector<512x257xf32>
    %dot_general3A_64 = tpu.matmul %get3A_14, %slice3A_62, %dot_general3A_63 {dimension_numbers = #tpu.dot_dimension_numbers<[1], [1], [0], [0], [0, 0, 1, 0], [], []>, transpose_lhs_hint = false} : vector<512x1024xf32>, vector<257x1024xf32>, vector<512x257xf32> -> vector<512x257xf32>
    %sub3A_65 = arith.constant 128 : i32
    %sub3A_66 = vector.broadcast %sub3A_65 : i32 to vector<512x1xi32>
    %sub3A_67 = arith.subi %sub3A_66, %convert_element_type3A_46 : vector<512x1xi32>
    %lt3A = vector.broadcast %sub3A_67 : vector<512x1xi32> to vector<512x257xi32>
    %lt3A_68 = arith.cmpi slt, %iota3A, %lt3A : vector<512x257xi32>
    %get3A_69 = arith.index_cast %arg0 : i32 to index
    %get3A_70 = memref.load %arg1[%get3A_69] : memref<8xi32, #tpu.memory_space<smem>>
    %add3A_71 = arith.constant 128 : i32
    %add3A_72 = arith.addi %get3A_70, %add3A_71 : i32
    %sub3A_73 = vector.broadcast %add3A_72 : i32 to vector<512x1xi32>
    %sub3A_74 = arith.subi %sub3A_73, %convert_element_type3A_46 : vector<512x1xi32>
    %ge3A = vector.broadcast %sub3A_74 : vector<512x1xi32> to vector<512x257xi32>
    %ge3A_75 = arith.cmpi sge, %iota3A, %ge3A : vector<512x257xi32>
    %or3A = arith.ori %lt3A_68, %ge3A_75 : vector<512x257xi1>
    %jit3A = arith.constant 9.99999982E-15 : f32
    %broadcast_in_dim3A = vector.broadcast %jit3A : f32 to vector<512x257xf32>
    %select_n3A = arith.select %or3A, %broadcast_in_dim3A, %dot_general3A_64 : vector<512x257xi1>, vector<512x257xf32>
    %reduce_max3A = arith.constant dense<0xFF800000> : vector<512xf32>
    %reduce_max3A_76 = vector.multi_reduction <maximumf>, %select_n3A, %reduce_max3A [1] : vector<512x257xf32> to vector<512xf32>
    %broadcast_in_dim3A_77 = vector.shape_cast %reduce_max3A_76 : vector<512xf32> to vector<512x1xf32>
    %sub3A_78 = vector.broadcast %broadcast_in_dim3A_77 : vector<512x1xf32> to vector<512x257xf32>
    %sub3A_79 = arith.subf %select_n3A, %sub3A_78 : vector<512x257xf32>
    %exp3A_80 = math.exp %sub3A_79 : vector<512x257xf32>
    %reduce_sum3A = arith.constant dense<0.000000e+00> : vector<512xf32>
    %reduce_sum3A_81 = vector.multi_reduction <add>, %exp3A_80, %reduce_sum3A [1] : vector<512x257xf32> to vector<512xf32>
    %broadcast_in_dim3A_82 = vector.shape_cast %reduce_sum3A_81 : vector<512xf32> to vector<512x1xf32>
    %div3A_83 = vector.broadcast %broadcast_in_dim3A_82 : vector<512x1xf32> to vector<512x257xf32>
    %div3A_84 = arith.divf %exp3A_80, %div3A_83 : vector<512x257xf32>
    %mul3A_85 = arith.mulf %div3A_84, %exp3A : vector<512x257xf32>
    %ge3A_86 = arith.constant 2 : i32
    %ge3A_87 = arith.cmpi sge, %arg0, %ge3A_86 : i32
    %convert_element_type3A_88 = arith.extui %ge3A_87 : i1 to i32
    %cond3A_89 = arith.constant 0 : i32
    %cond3A_90 = arith.cmpi ne, %convert_element_type3A_88, %cond3A_89 : i32
    scf.if %cond3A_90 {
      %sub3A_165 = arith.constant 2 : i32
      %sub3A_166 = arith.subi %arg0, %sub3A_165 : i32
      %jit3A_167 = arith.constant 2 : i32
      %eq3A_168 = arith.constant 0 : i32
      %eq3A_169 = arith.cmpi eq, %jit3A_167, %eq3A_168 : i32
      %jit3A_170 = arith.constant 1 : i32
      %select_n3A_171 = arith.select %eq3A_169, %jit3A_170, %jit3A_167 : i32
      %rem3A_172 = arith.remsi %sub3A_166, %select_n3A_171 : i32
      %ne3A_173 = arith.constant 0 : i32
      %ne3A_174 = arith.cmpi ne, %rem3A_172, %ne3A_173 : i32
      %lt3A_175 = arith.constant 0 : i32
      %lt3A_176 = arith.cmpi slt, %rem3A_172, %lt3A_175 : i32
      %lt3A_177 = arith.constant 0 : i32
      %lt3A_178 = arith.cmpi slt, %select_n3A_171, %lt3A_177 : i32
      %ne3A_179 = arith.xori %lt3A_176, %lt3A_178 : i1
      %and3A_180 = arith.andi %ne3A_179, %ne3A_174 : i1
      %add3A_181 = arith.addi %rem3A_172, %select_n3A_171 : i32
      %select_n3A_182 = arith.select %and3A_180, %add3A_181, %rem3A_172 : i32
      %jit3A_183 = arith.constant 2 : i32
      %eq3A_184 = arith.constant 0 : i32
      %eq3A_185 = arith.cmpi eq, %jit3A_183, %eq3A_184 : i32
      %jit3A_186 = arith.constant 1 : i32
      %select_n3A_187 = arith.select %eq3A_185, %jit3A_186, %jit3A_183 : i32
      %rem3A_188 = arith.remsi %sub3A_166, %select_n3A_187 : i32
      %ne3A_189 = arith.constant 0 : i32
      %ne3A_190 = arith.cmpi ne, %rem3A_188, %ne3A_189 : i32
      %lt3A_191 = arith.constant 0 : i32
      %lt3A_192 = arith.cmpi slt, %rem3A_188, %lt3A_191 : i32
      %lt3A_193 = arith.constant 0 : i32
      %lt3A_194 = arith.cmpi slt, %select_n3A_187, %lt3A_193 : i32
      %ne3A_195 = arith.xori %lt3A_192, %lt3A_194 : i1
      %and3A_196 = arith.andi %ne3A_195, %ne3A_190 : i1
      %add3A_197 = arith.addi %rem3A_188, %select_n3A_187 : i32
      %select_n3A_198 = arith.select %and3A_196, %add3A_197, %rem3A_188 : i32
      %dma_wait3A_199 = tpu.memref_slice %arg12[%select_n3A_198] : memref<2x!tpu.dma_semaphore, #tpu.memory_space<semaphore_mem>> -> memref<1x!tpu.dma_semaphore, #tpu.memory_space<semaphore_mem>>
      %dma_wait3A_200 = tpu.memref_squeeze %dma_wait3A_199 : memref<1x!tpu.dma_semaphore, #tpu.memory_space<semaphore_mem>> -> memref<!tpu.dma_semaphore, #tpu.memory_space<semaphore_mem>>
      %dma_wait3A_201 = arith.constant 0 : i32
      %dma_wait3A_202 = arith.constant 0 : i32
      %dma_wait3A_203 = tpu.memref_slice %arg8[%dma_wait3A_201, %sub3A_166, %dma_wait3A_202] : memref<512x8x1024xf32, #tpu.memory_space<any>> -> memref<512x1x1024xf32, #tpu.memory_space<any>>
      %dma_wait3A_204 = tpu.memref_squeeze %dma_wait3A_203 : memref<512x1x1024xf32, #tpu.memory_space<any>> -> memref<512x1024xf32, #tpu.memory_space<any>>
      %dma_wait3A_205 = arith.constant 0 : i32
      %dma_wait3A_206 = arith.constant 0 : i32
      %dma_wait3A_207 = tpu.memref_slice %arg10[%select_n3A_182, %dma_wait3A_205, %dma_wait3A_206] : memref<2x512x1024xf32, #tpu.memory_space<vmem>> -> memref<1x512x1024xf32, #tpu.memory_space<vmem>>
      %dma_wait3A_208 = tpu.memref_squeeze %dma_wait3A_207 : memref<1x512x1024xf32, #tpu.memory_space<vmem>> -> memref<512x1024xf32, #tpu.memory_space<vmem>>
      tpu.wait_dma2 semaphore(%dma_wait3A_200 : memref<!tpu.dma_semaphore, #tpu.memory_space<semaphore_mem>>) src(%dma_wait3A_208 : memref<512x1024xf32, #tpu.memory_space<vmem>>) dst(%dma_wait3A_204 : memref<512x1024xf32, #tpu.memory_space<any>>)
    } else {
    }
    %slice3A_91 = vector.extract_strided_slice %mul3A_85 {offsets = [0, 0], sizes = [512, 256], strides = [1, 1]} : vector<512x257xf32> to vector<512x256xf32>
    %slice3A_92 = vector.extract_strided_slice %slice3A_62 {offsets = [0, 0], sizes = [256, 1024], strides = [1, 1]} : vector<257x1024xf32> to vector<256x1024xf32>
    %dot_general3A_93 = arith.constant dense<0.000000e+00> : vector<512x1024xf32>
    %dot_general3A_94 = tpu.matmul %slice3A_91, %slice3A_92, %dot_general3A_93 {dimension_numbers = #tpu.dot_dimension_numbers<[1], [0], [0], [1], [0, 0, 1, 1], [], []>, transpose_lhs_hint = false} : vector<512x256xf32>, vector<256x1024xf32>, vector<512x1024xf32> -> vector<512x1024xf32>
    %slice3A_95 = vector.extract_strided_slice %mul3A_85 {offsets = [0, 256], sizes = [512, 1], strides = [1, 1]} : vector<512x257xf32> to vector<512x1xf32>
    %slice3A_96 = vector.extract_strided_slice %slice3A_62 {offsets = [256, 0], sizes = [1, 1024], strides = [1, 1]} : vector<257x1024xf32> to vector<1x1024xf32>
    %mul3A_97 = vector.broadcast %slice3A_95 : vector<512x1xf32> to vector<512x1024xf32>
    %mul3A_98 = vector.broadcast %slice3A_96 : vector<1x1024xf32> to vector<512x1024xf32>
    %mul3A_99 = arith.mulf %mul3A_97, %mul3A_98 : vector<512x1024xf32>
    %add3A_100 = arith.addf %dot_general3A_94, %mul3A_99 : vector<512x1024xf32>
    %jit3A_101 = arith.constant 2 : i32
    %eq3A_102 = arith.constant 0 : i32
    %eq3A_103 = arith.cmpi eq, %jit3A_101, %eq3A_102 : i32
    %jit3A_104 = arith.constant 1 : i32
    %select_n3A_105 = arith.select %eq3A_103, %jit3A_104, %jit3A_101 : i32
    %rem3A = arith.remsi %arg0, %select_n3A_105 : i32
    %ne3A = arith.constant 0 : i32
    %ne3A_106 = arith.cmpi ne, %rem3A, %ne3A : i32
    %lt3A_107 = arith.constant 0 : i32
    %lt3A_108 = arith.cmpi slt, %rem3A, %lt3A_107 : i32
    %lt3A_109 = arith.constant 0 : i32
    %lt3A_110 = arith.cmpi slt, %select_n3A_105, %lt3A_109 : i32
    %ne3A_111 = arith.xori %lt3A_108, %lt3A_110 : i1
    %and3A = arith.andi %ne3A_111, %ne3A_106 : i1
    %add3A_112 = arith.addi %rem3A, %select_n3A_105 : i32
    %select_n3A_113 = arith.select %and3A, %add3A_112, %rem3A : i32
    %swap3A = arith.index_cast %select_n3A_113 : i32 to index
    %swap3A_114 = arith.constant 0 : index
    %swap3A_115 = arith.constant 0 : index
    %swap3A_116 = vector.load %arg10[%swap3A, %swap3A_114, %swap3A_115] : memref<2x512x1024xf32, #tpu.memory_space<vmem>>, vector<1x512x1024xf32>
    %swap3A_117 = vector.shape_cast %swap3A_116 : vector<1x512x1024xf32> to vector<512x1024xf32>
    %swap3A_118 = vector.shape_cast %add3A_100 : vector<512x1024xf32> to vector<1x512x1024xf32>
    tpu.vector_store %arg10[%swap3A, %swap3A_114, %swap3A_115], %swap3A_118 {strides = array<i32>} : memref<2x512x1024xf32, #tpu.memory_space<vmem>>, vector<1x512x1024xf32>,
    %jit3A_119 = arith.constant 2 : i32
    %eq3A_120 = arith.constant 0 : i32
    %eq3A_121 = arith.cmpi eq, %jit3A_119, %eq3A_120 : i32
    %jit3A_122 = arith.constant 1 : i32
    %select_n3A_123 = arith.select %eq3A_121, %jit3A_122, %jit3A_119 : i32
    %rem3A_124 = arith.remsi %arg0, %select_n3A_123 : i32
    %ne3A_125 = arith.constant 0 : i32
    %ne3A_126 = arith.cmpi ne, %rem3A_124, %ne3A_125 : i32
    %lt3A_127 = arith.constant 0 : i32
    %lt3A_128 = arith.cmpi slt, %rem3A_124, %lt3A_127 : i32
    %lt3A_129 = arith.constant 0 : i32
    %lt3A_130 = arith.cmpi slt, %select_n3A_123, %lt3A_129 : i32
    %ne3A_131 = arith.xori %lt3A_128, %lt3A_130 : i1
    %and3A_132 = arith.andi %ne3A_131, %ne3A_126 : i1
    %add3A_133 = arith.addi %rem3A_124, %select_n3A_123 : i32
    %select_n3A_134 = arith.select %and3A_132, %add3A_133, %rem3A_124 : i32
    %jit3A_135 = arith.constant 2 : i32
    %eq3A_136 = arith.constant 0 : i32
    %eq3A_137 = arith.cmpi eq, %jit3A_135, %eq3A_136 : i32
    %jit3A_138 = arith.constant 1 : i32
    %select_n3A_139 = arith.select %eq3A_137, %jit3A_138, %jit3A_135 : i32
    %rem3A_140 = arith.remsi %arg0, %select_n3A_139 : i32
    %ne3A_141 = arith.constant 0 : i32
    %ne3A_142 = arith.cmpi ne, %rem3A_140, %ne3A_141 : i32
    %lt3A_143 = arith.constant 0 : i32
    %lt3A_144 = arith.cmpi slt, %rem3A_140, %lt3A_143 : i32
    %lt3A_145 = arith.constant 0 : i32
    %lt3A_146 = arith.cmpi slt, %select_n3A_139, %lt3A_145 : i32
    %ne3A_147 = arith.xori %lt3A_144, %lt3A_146 : i1
    %and3A_148 = arith.andi %ne3A_147, %ne3A_142 : i1
    %add3A_149 = arith.addi %rem3A_140, %select_n3A_139 : i32
    %select_n3A_150 = arith.select %and3A_148, %add3A_149, %rem3A_140 : i32
    %dma_start3A = tpu.memref_slice %arg12[%select_n3A_150] : memref<2x!tpu.dma_semaphore, #tpu.memory_space<semaphore_mem>> -> memref<1x!tpu.dma_semaphore, #tpu.memory_space<semaphore_mem>>
    %dma_start3A_151 = tpu.memref_squeeze %dma_start3A : memref<1x!tpu.dma_semaphore, #tpu.memory_space<semaphore_mem>> -> memref<!tpu.dma_semaphore, #tpu.memory_space<semaphore_mem>>
    %dma_start3A_152 = arith.constant 0 : i32
    %dma_start3A_153 = arith.constant 0 : i32
    %dma_start3A_154 = tpu.memref_slice %arg8[%dma_start3A_152, %arg0, %dma_start3A_153] : memref<512x8x1024xf32, #tpu.memory_space<any>> -> memref<512x1x1024xf32, #tpu.memory_space<any>>
    %dma_start3A_155 = tpu.memref_squeeze %dma_start3A_154 : memref<512x1x1024xf32, #tpu.memory_space<any>> -> memref<512x1024xf32, #tpu.memory_space<any>>
    %dma_start3A_156 = arith.constant 0 : i32
    %dma_start3A_157 = arith.constant 0 : i32
    %dma_start3A_158 = tpu.memref_slice %arg10[%select_n3A_134, %dma_start3A_156, %dma_start3A_157] : memref<2x512x1024xf32, #tpu.memory_space<vmem>> -> memref<1x512x1024xf32, #tpu.memory_space<vmem>>
    %dma_start3A_159 = tpu.memref_squeeze %dma_start3A_158 : memref<1x512x1024xf32, #tpu.memory_space<vmem>> -> memref<512x1024xf32, #tpu.memory_space<vmem>>
    tpu.enqueue_dma source(%dma_start3A_159 : memref<512x1024xf32, #tpu.memory_space<vmem>>) target(%dma_start3A_155 : memref<512x1024xf32, #tpu.memory_space<any>>) target_semaphore(%dma_start3A_151 : memref<!tpu.dma_semaphore, #tpu.memory_space<semaphore_mem>>)
    %eq3A_160 = arith.constant 7 : i32
    %eq3A_161 = arith.cmpi eq, %arg0, %eq3A_160 : i32
    %convert_element_type3A_162 = arith.extui %eq3A_161 : i1 to i32
    %cond3A_163 = arith.constant 0 : i32
    %cond3A_164 = arith.cmpi ne, %convert_element_type3A_162, %cond3A_163 : i32
    scf.if %cond3A_164 {
      %sub3A_165 = arith.constant 1 : i32
      %sub3A_166 = arith.subi %arg0, %sub3A_165 : i32
      %jit3A_167 = arith.constant 2 : i32
      %eq3A_168 = arith.constant 0 : i32
      %eq3A_169 = arith.cmpi eq, %jit3A_167, %eq3A_168 : i32
      %jit3A_170 = arith.constant 1 : i32
      %select_n3A_171 = arith.select %eq3A_169, %jit3A_170, %jit3A_167 : i32
      %rem3A_172 = arith.remsi %sub3A_166, %select_n3A_171 : i32
      %ne3A_173 = arith.constant 0 : i32
      %ne3A_174 = arith.cmpi ne, %rem3A_172, %ne3A_173 : i32
      %lt3A_175 = arith.constant 0 : i32
      %lt3A_176 = arith.cmpi slt, %rem3A_172, %lt3A_175 : i32
      %lt3A_177 = arith.constant 0 : i32
      %lt3A_178 = arith.cmpi slt, %select_n3A_171, %lt3A_177 : i32
      %ne3A_179 = arith.xori %lt3A_176, %lt3A_178 : i1
      %and3A_180 = arith.andi %ne3A_179, %ne3A_174 : i1
      %add3A_181 = arith.addi %rem3A_172, %select_n3A_171 : i32
      %select_n3A_182 = arith.select %and3A_180, %add3A_181, %rem3A_172 : i32
      %jit3A_183 = arith.constant 2 : i32
      %eq3A_184 = arith.constant 0 : i32
      %eq3A_185 = arith.cmpi eq, %jit3A_183, %eq3A_184 : i32
      %jit3A_186 = arith.constant 1 : i32
      %select_n3A_187 = arith.select %eq3A_185, %jit3A_186, %jit3A_183 : i32
      %rem3A_188 = arith.remsi %sub3A_166, %select_n3A_187 : i32
      %ne3A_189 = arith.constant 0 : i32
      %ne3A_190 = arith.cmpi ne, %rem3A_188, %ne3A_189 : i32
      %lt3A_191 = arith.constant 0 : i32
      %lt3A_192 = arith.cmpi slt, %rem3A_188, %lt3A_191 : i32
      %lt3A_193 = arith.constant 0 : i32
      %lt3A_194 = arith.cmpi slt, %select_n3A_187, %lt3A_193 : i32
      %ne3A_195 = arith.xori %lt3A_192, %lt3A_194 : i1
      %and3A_196 = arith.andi %ne3A_195, %ne3A_190 : i1
      %add3A_197 = arith.addi %rem3A_188, %select_n3A_187 : i32
      %select_n3A_198 = arith.select %and3A_196, %add3A_197, %rem3A_188 : i32
      %dma_wait3A_199 = tpu.memref_slice %arg12[%select_n3A_198] : memref<2x!tpu.dma_semaphore, #tpu.memory_space<semaphore_mem>> -> memref<1x!tpu.dma_semaphore, #tpu.memory_space<semaphore_mem>>
      %dma_wait3A_200 = tpu.memref_squeeze %dma_wait3A_199 : memref<1x!tpu.dma_semaphore, #tpu.memory_space<semaphore_mem>> -> memref<!tpu.dma_semaphore, #tpu.memory_space<semaphore_mem>>
      %dma_wait3A_201 = arith.constant 0 : i32
      %dma_wait3A_202 = arith.constant 0 : i32
      %dma_wait3A_203 = tpu.memref_slice %arg8[%dma_wait3A_201, %sub3A_166, %dma_wait3A_202] : memref<512x8x1024xf32, #tpu.memory_space<any>> -> memref<512x1x1024xf32, #tpu.memory_space<any>>
      %dma_wait3A_204 = tpu.memref_squeeze %dma_wait3A_203 : memref<512x1x1024xf32, #tpu.memory_space<any>> -> memref<512x1024xf32, #tpu.memory_space<any>>
      %dma_wait3A_205 = arith.constant 0 : i32
      %dma_wait3A_206 = arith.constant 0 : i32
      %dma_wait3A_207 = tpu.memref_slice %arg10[%select_n3A_182, %dma_wait3A_205, %dma_wait3A_206] : memref<2x512x1024xf32, #tpu.memory_space<vmem>> -> memref<1x512x1024xf32, #tpu.memory_space<vmem>>
      %dma_wait3A_208 = tpu.memref_squeeze %dma_wait3A_207 : memref<1x512x1024xf32, #tpu.memory_space<vmem>> -> memref<512x1024xf32, #tpu.memory_space<vmem>>
      tpu.wait_dma2 semaphore(%dma_wait3A_200 : memref<!tpu.dma_semaphore, #tpu.memory_space<semaphore_mem>>) src(%dma_wait3A_208 : memref<512x1024xf32, #tpu.memory_space<vmem>>) dst(%dma_wait3A_204 : memref<512x1024xf32, #tpu.memory_space<any>>)
      %jit3A_209 = arith.constant 2 : i32
      %eq3A_210 = arith.constant 0 : i32
      %eq3A_211 = arith.cmpi eq, %jit3A_209, %eq3A_210 : i32
      %jit3A_212 = arith.constant 1 : i32
      %select_n3A_213 = arith.select %eq3A_211, %jit3A_212, %jit3A_209 : i32
      %rem3A_214 = arith.remsi %arg0, %select_n3A_213 : i32
      %ne3A_215 = arith.constant 0 : i32
      %ne3A_216 = arith.cmpi ne, %rem3A_214, %ne3A_215 : i32
      %lt3A_217 = arith.constant 0 : i32
      %lt3A_218 = arith.cmpi slt, %rem3A_214, %lt3A_217 : i32
      %lt3A_219 = arith.constant 0 : i32
      %lt3A_220 = arith.cmpi slt, %select_n3A_213, %lt3A_219 : i32
      %ne3A_221 = arith.xori %lt3A_218, %lt3A_220 : i1
      %and3A_222 = arith.andi %ne3A_221, %ne3A_216 : i1
      %add3A_223 = arith.addi %rem3A_214, %select_n3A_213 : i32
      %select_n3A_224 = arith.select %and3A_222, %add3A_223, %rem3A_214 : i32
      %jit3A_225 = arith.constant 2 : i32
      %eq3A_226 = arith.constant 0 : i32
      %eq3A_227 = arith.cmpi eq, %jit3A_225, %eq3A_226 : i32
      %jit3A_228 = arith.constant 1 : i32
      %select_n3A_229 = arith.select %eq3A_227, %jit3A_228, %jit3A_225 : i32
      %rem3A_230 = arith.remsi %arg0, %select_n3A_229 : i32
      %ne3A_231 = arith.constant 0 : i32
      %ne3A_232 = arith.cmpi ne, %rem3A_230, %ne3A_231 : i32
      %lt3A_233 = arith.constant 0 : i32
      %lt3A_234 = arith.cmpi slt, %rem3A_230, %lt3A_233 : i32
      %lt3A_235 = arith.constant 0 : i32
      %lt3A_236 = arith.cmpi slt, %select_n3A_229, %lt3A_235 : i32
      %ne3A_237 = arith.xori %lt3A_234, %lt3A_236 : i1
      %and3A_238 = arith.andi %ne3A_237, %ne3A_232 : i1
      %add3A_239 = arith.addi %rem3A_230, %select_n3A_229 : i32
      %select_n3A_240 = arith.select %and3A_238, %add3A_239, %rem3A_230 : i32
      %dma_wait3A_241 = tpu.memref_slice %arg12[%select_n3A_240] : memref<2x!tpu.dma_semaphore, #tpu.memory_space<semaphore_mem>> -> memref<1x!tpu.dma_semaphore, #tpu.memory_space<semaphore_mem>>
      %dma_wait3A_242 = tpu.memref_squeeze %dma_wait3A_241 : memref<1x!tpu.dma_semaphore, #tpu.memory_space<semaphore_mem>> -> memref<!tpu.dma_semaphore, #tpu.memory_space<semaphore_mem>>
      %dma_wait3A_243 = arith.constant 0 : i32
      %dma_wait3A_244 = arith.constant 0 : i32
      %dma_wait3A_245 = tpu.memref_slice %arg8[%dma_wait3A_243, %arg0, %dma_wait3A_244] : memref<512x8x1024xf32, #tpu.memory_space<any>> -> memref<512x1x1024xf32, #tpu.memory_space<any>>
      %dma_wait3A_246 = tpu.memref_squeeze %dma_wait3A_245 : memref<512x1x1024xf32, #tpu.memory_space<any>> -> memref<512x1024xf32, #tpu.memory_space<any>>
      %dma_wait3A_247 = arith.constant 0 : i32
      %dma_wait3A_248 = arith.constant 0 : i32
      %dma_wait3A_249 = tpu.memref_slice %arg10[%select_n3A_224, %dma_wait3A_247, %dma_wait3A_248] : memref<2x512x1024xf32, #tpu.memory_space<vmem>> -> memref<1x512x1024xf32, #tpu.memory_space<vmem>>
      %dma_wait3A_250 = tpu.memref_squeeze %dma_wait3A_249 : memref<1x512x1024xf32, #tpu.memory_space<vmem>> -> memref<512x1024xf32, #tpu.memory_space<vmem>>
      tpu.wait_dma2 semaphore(%dma_wait3A_242 : memref<!tpu.dma_semaphore, #tpu.memory_space<semaphore_mem>>) src(%dma_wait3A_250 : memref<512x1024xf32, #tpu.memory_space<vmem>>) dst(%dma_wait3A_246 : memref<512x1024xf32, #tpu.memory_space<any>>)
    } else {
    }
    return
  }
  func.func @transform_0(%arg0: i32) -> i32 {
    %c0_i32 = arith.constant 0 : i32
    %c0_i32_0 = arith.constant 0 : i32
    return %c0_i32 : i32
  }
  func.func @transform_2(%arg0: i32) -> (i32, i32, i32) {
    %c0_i32 = arith.constant 0 : i32
    %c0_i32_0 = arith.constant 0 : i32
    %c0_i32_1 = arith.constant 0 : i32
    return %arg0, %c0_i32, %c0_i32_0 : i32, i32, i32
  }
  func.func @transform_3(%arg0: i32) -> (i32, i32) {
    %c0_i32 = arith.constant 0 : i32
    %c0_i32_0 = arith.constant 0 : i32
    %c0_i32_1 = arith.constant 0 : i32
    return %c0_i32, %c0_i32_0 : i32, i32
  }
  func.func @transform_4(%arg0: i32) -> (i32, i32) {
    %c0_i32 = arith.constant 0 : i32
    %c0_i32_0 = arith.constant 0 : i32
    %c0_i32_1 = arith.constant 0 : i32
    return %c0_i32, %c0_i32_0 : i32, i32
  }
  func.func @transform_5(%arg0: i32) -> (i32, i32) {
    %c0_i32 = arith.constant 0 : i32
    %c0_i32_0 = arith.constant 0 : i32
    %c0_i32_1 = arith.constant 0 : i32
    return %c0_i32, %c0_i32_0 : i32, i32
  }
  func.func @transform_6(%arg0: i32) -> i32 {
    %c0_i32 = arith.constant 0 : i32
    %c0_i32_0 = arith.constant 0 : i32
    return %c0_i32 : i32
  }
}

</mosaic_0001>

<sc_bundles>
// kernel: kernel.5.cloned.1.call-start
scs
__scs_entry_jumppad:
0x0: {  	(pc) =	sbr.rel $0x88, $3  }
0x1: {  	(tag) =	ssettag $0x0;
	lr =	simm.s32 $0x1  }
0x2: {  	[smem:$0x3F9A] =	sst lr;
	_ =	strace $0xD0000000  }
0x3: {  	_ = 	snop  }
0x4: {  	_ = 	snop  }
0x5: {  	_ = 	snop  }
0x6: {  	_ = 	snop  }
0x7: {  	_ = 	snop  }
__scs_overlays_trampoline_lowered:
0x8: {  	[smem:$0x3FA9] =	sst s0  }
0x9: {  	[smem:$0x3FAA] =	sst s1  }
0xa: {  	[smem:$0x3FAB] =	sst s2  }
0xb: {  	[smem:$0x3FAC] =	sst s3  }
0xc: {  	[smem:$0x3FAD] =	sst s4  }
0xd: {  	[smem:$0x3FAE] =	sst s5  }
0xe: {  	[smem:$0x3FAF] =	sst s6  }
0xf: {  	[smem:$0x3FB0] =	sst s7  }
0x10: {  	[smem:$0x3FB1] =	sst s8  }
0x11: {  	[smem:$0x3FB2] =	sst s9;
	s0 =	simm.s32 @!p0 $0x0  }
0x12: {  	s1 =	sld [smem:$0x3F98];
	s0 =	simm.s32 @p0 $0x1  }
0x13: {  	[smem:$0x3FB3] =	sst s0;
	s0 =	simm.s32 @!p1 $0x0  }
0x14: {  	s2 =	sld [smem:$0x3F97];
	s0 =	simm.s32 @p1 $0x1  }
0x15: {  	[smem:$0x3FB4] =	sst s0;
	s0 =	simm.s32 @!p2 $0x0  }
0x16: {  	s3 =	sld [smem:$0x3FDB];
	s0 =	simm.s32 @p2 $0x1  }
0x17: {  	s4 =	simm.s32 $0x1BF5;
	[smem:$0x3FB6] =	sst s0  }
0x18: {  	s0 =	sld [smem:$0x3F99];
	_ =	swait.ge [sflag:s4], $0x0  }
0x19: {  	s7 =	sld [smem:$0x3F9A]  }
0x1a: {  	s8 =	sadd.s32 $0xFFFFE003, lr  }
0x1b: {  	s9 =	sadd.s32 $0xFFFFFEF7, lr;
	s5 =	simm.s32 $0xFFFFFFFF;
	p2 =	slt.u32 s8, $0xFFFFF086  }
0x1c: {  	p1 =	slt.u32 s9, $0xF7A;
	s5 =	simm.s32 @!p2 $0x0  }
0x1d: {  	s5 =	simm.s32 @p1 $0x1;
	p0 =	seq.s32 s7, s2  }
0x1e: {  	s7 =	smul.u32 @!p0 $0xF7A, s2;
	p2 =	seq.s32 @!p0 s5, $0x0  }
0x1f: {  	s9 =	smul.u32 $0xF7A, s1;
	s8 =	simm.s32 @!p0 $0x1BF5;
	p2 =	por !p2, p0  }
0x20: {  	[sflag:s8] =	ssyncset.s32 @!p0 $0xFFFFF086;
	s6 =	sadd.s32 @!p0 s3, s7;
	s7 =	simm.s32 @!p0 $0x108  }
0x21: {  	s3 =	sadd.s32 s3, s9;
	s6 =	sadd.s32 @!p0 $0x88, s6;
	s7 =	simm.s32 @p2 $0x1082  }
0x22: {  	[simem:s7], [sflag:s8] =	dma.local @!p0 [hbm:s6], $0xF7A  }
0x23: {  	s9 =	sor.u32 $0xD0000000, s2;
	s6 =	simm.s32 $0x108;
	_ =	swait.ge @!p0 [sflag:s8], $0x0  }
0x24: {  	s3 =	sadd.s32 $0x88, s3;
	s6 =	simm.s32 @!p1 $0x1082;
	[sflag:s4] =	ssyncset.s32 $0xFFFFF086  }
0x25: {  	[simem:s6], [sflag:s4] =	dma.local [hbm:s3], $0xF7A  }
0x26: {  	[smem:$0x3F9A] =	sst s1;
	(tag) =	ssettag s2;
	_ =	strace s9  }
0x27: {  	s1 =	sld [smem:$0x3FAA]  }
0x28: {  	s2 =	sld [smem:$0x3FAB]  }
0x29: {  	s4 =	sld [smem:$0x3FAD]  }
0x2a: {  	p0 =	seq.s32 s5, $0x0;
	s5 =	sld [smem:$0x3FAE]  }
0x2b: {  	s6 =	sld [smem:$0x3FAF]  }
0x2c: {  	s7 =	sld [smem:$0x3FB0]  }
0x2d: {  	s3 =	simm.s32 $0x108;
	s8 =	sld [smem:$0x3FB1]  }
0x2e: {  	s3 =	simm.s32 @!p0 $0x1082;
	s9 =	sld [smem:$0x3FB2]  }
0x2f: {  	lr =	sadd.s32 s0, s3;
	s0 =	sld [smem:$0x3FA9]  }
0x30: {  	s3 =	sld [smem:$0x3FAC]  }
0x31: {  	[smem:$0x3FB5] =	sst s10  }
0x32: {  	s10 =	sld [smem:$0x3FB3];
	_ =	sdelay $0x3  }
0x33: {  	p0 =	seq.s32 s10, $0x1;
	s10 =	sld [smem:$0x3FB5];
	_ =	sdelay $0x3  }
0x34: {  	[smem:$0x3FB5] =	sst s10  }
0x35: {  	s10 =	sld [smem:$0x3FB4];
	_ =	sdelay $0x3  }
0x36: {  	p1 =	seq.s32 s10, $0x1;
	s10 =	sld [smem:$0x3FB5];
	_ =	sdelay $0x3  }
0x37: {  	[smem:$0x3FB5] =	sst s10  }
0x38: {  	s10 =	sld [smem:$0x3FB6]  }
0x39: {  	_ = 	snop;
	(pc) =	sbr.ind lr, $3  }
0x3a: {  	_ = 	snop  }
0x3b: {  	_ = 	snop  }
0x3c: {  	p2 =	seq.s32 s10, $0x1;
	s10 =	sld [smem:$0x3FB5]  }
0x3d: {  	_ =	shalt  }
0x3e: {  	_ =	shalt  }
0x3f: {  	_ =	shalt  }
0x40: {  	_ =	shalt  }
0x41: {  	_ =	shalt  }
0x42: {  	_ =	shalt  }
0x43: {  	_ =	shalt  }
0x44: {  	_ =	shalt  }
0x45: {  	_ =	shalt  }
0x46: {  	_ =	shalt  }
0x47: {  	_ =	shalt  }
0x48: {  	_ =	shalt  }
0x49: {  	_ =	shalt  }
0x4a: {  	_ =	shalt  }
0x4b: {  	_ =	shalt  }
0x4c: {  	_ =	shalt  }
0x4d: {  	_ =	shalt  }
0x4e: {  	_ =	shalt  }
0x4f: {  	_ =	shalt  }
0x50: {  	_ =	shalt  }
0x51: {  	_ =	shalt  }
0x52: {  	_ =	shalt  }
0x53: {  	_ =	shalt  }
0x54: {  	_ =	shalt  }
0x55: {  	_ =	shalt  }
0x56: {  	_ =	shalt  }
0x57: {  	_ =	shalt  }
0x58: {  	_ =	shalt  }
0x59: {  	_ =	shalt  }
0x5a: {  	_ =	shalt  }
0x5b: {  	_ =	shalt  }
0x5c: {  	_ =	shalt  }
0x5d: {  	_ =	shalt  }
0x5e: {  	_ =	shalt  }
0x5f: {  	_ =	shalt  }
0x60: {  	_ =	shalt  }
0x61: {  	_ =	shalt  }
0x62: {  	_ =	shalt  }
0x63: {  	_ =	shalt  }
0x64: {  	_ =	shalt  }
0x65: {  	_ =	shalt  }
0x66: {  	_ =	shalt  }
0x67: {  	_ =	shalt  }
0x68: {  	_ =	shalt  }
0x69: {  	_ =	shalt  }
0x6a: {  	_ =	shalt  }
0x6b: {  	_ =	shalt  }
0x6c: {  	_ =	shalt  }
0x6d: {  	_ =	shalt  }
0x6e: {  	_ =	shalt  }
0x6f: {  	_ =	shalt  }
0x70: {  	_ =	shalt  }
0x71: {  	_ =	shalt  }
0x72: {  	_ =	shalt  }
0x73: {  	_ =	shalt  }
0x74: {  	_ =	shalt  }
0x75: {  	_ =	shalt  }
0x76: {  	_ =	shalt  }
0x77: {  	_ =	shalt  }
0x78: {  	_ =	shalt  }
0x79: {  	_ =	shalt  }
0x7a: {  	_ =	shalt  }
0x7b: {  	_ =	shalt  }
0x7c: {  	_ =	shalt  }
0x7d: {  	_ =	shalt  }
0x7e: {  	_ =	shalt  }
0x7f: {  	_ =	shalt  }
0x80: {  	_ =	shalt  }
0x81: {  	_ =	shalt  }
0x82: {  	_ =	shalt  }
0x83: {  	_ =	shalt  }
0x84: {  	_ =	shalt  }
0x85: {  	_ =	shalt  }
0x86: {  	_ =	shalt  }
0x87: {  	_ =	shalt  }
.Lfunc_end0:
.L_simem_size_0:
called_computation_lowered:
.L_overlay_start_0:
0x88: {  	s2 =	sld [smem:$0x3FD9]  }
0x89: {  	s3 =	sld [smem:$0x3FFE];
	_ =	sdelay $0x1  }
0x8a: {  	s1 =	srdreg.scid  }
0x8b: {  	s0 =	sand.u32 $0x1, s1  }
0x8c: {  	s17 =	sshll.u32 s0, $0xA;
	s2 =	sadd.s32 s3, s2  }
0x8d: {  	s2 =	sadd.s32 s2, s17  }
0x8e: {  	[smem:$0x3FC1] =	sst s2  }
0x8f: {  	_ = 	snop  }
0x90: {  	s2 =	sld [smem:$0x3FC9]  }
0x91: {  	s18 =	sld [smem:$0x3FD0];
	(tm) =	ssettm $0x1  }
0x92: {  	s4 =	sld [smem:$0x3FFB];
	_ =	sdelay $0x3  }
0x93: {  	_ =	strace s4  }
0x94: {  	s4 =	sld [smem:$0x3FFC];
	_ =	sdelay $0x3  }
0x95: {  	_ =	strace s4  }
0x96: {  	s4 =	sld [smem:$0x3FFD];
	_ =	sdelay $0x3  }
0x97: {  	_ =	strace s4  }
0x98: {  	_ =	strace $0x8FFFFFFF  }
0x99: {  	s19 =	sld [smem:$0x3FDB];
	_ =	sdelay $0x1  }
0x9a: {  	s5 =	simm.s32 $_scs_section_size  }
0x9b: {  	s6 =	simm.s32 $_size__tile_overlayer_lowered;
	s7 =	simm.s32 $_tile_overlayer_lowered  }
0x9c: {  	s22 =	simm.s32 $0x1BFF;
	s21 =	sshll.u32 s7, $0x1;
	s4 =	sadd.s32 s5, s19  }
0x9d: {  	s8 =	simm.s32 $0x0;
	s20 =	sshll.u32 s6, $0x1;
	s6 =	sadd.s32 s21, s4  }
0x9e: {  	[timem:s8], [sflag:s22] =	dma.local [hbm:s6], s20  }
0x9f: {  	_ =	swait.ge [sflag:s22], s20  }
0xa0: {  	s5 =	ssub.s32 $0x0, s20;
	[sflag:s22] =	ssyncset.done $0x0  }
0xa1: {  	[sflag:s22] =	ssyncadd.s32 s5;
	_ =	sdelay $0x1  }
0xa2: {  	s23 =	simm.s32 $0x1B8B  }
0xa3: {  	_ =	swait.ge [sflag:s23], $0x1  }
0xa4: {  	[sflag:s23] =	ssyncset.done $0x0  }
0xa5: {  	s25 =	simm.s32 $0x1B8E;
	s24 =	sld [smem:$0x3FFE];
	[sflag:s23] =	ssyncadd.s32 $0xFFFFFFFF  }
0xa6: {  	s26 =	simm.s32 $execute0_lowered;
	[smem:$0x3FD2] =	sst s25  }
0xa7: {  	s6 =	sshll.u32 s26, $0x1;
	_ =	strace $0x80000046;
	[dreg:$0x1] =	wrdreg $0xFFFFFFFF  }
0xa8: {  	s28 =	simm.s32 $_size_execute0_lowered;
	s4 =	sadd.s32 s4, s6;
	[dreg:$0x0] =	wrdreg $0x0  }
0xa9: {  	s6 =	sshll.u32 s28, $0x1;
	[dreg:$0x2] =	wrdreg s4  }
0xaa: {  	[dreg:$0x3] =	wrdreg s6  }
0xab: {  	[dreg:$0x4] =	wrdreg $0xC0  }
0xac: {  	_ =	task [dreg:s8], $0x5FFFF  }
0xad: {  	[dreg:$0x1] =	wrdreg $0xFFFFFFFF  }
0xae: {  	[dreg:$0x0] =	wrdreg $0x60  }
0xaf: {  	[dreg:$0x2] =	wrdreg s24  }
0xb0: {  	[dreg:$0x3] =	wrdreg s2  }
0xb1: {  	[dreg:$0x4] =	wrdreg s18  }
0xb2: {  	[dreg:$0x5] =	wrdreg $0x9  }
0xb3: {  	_ =	task.clear_ibuf [dreg:s8], $0x6FFFF;
	_ =	strace $0x90000046  }
0xb4: {  	s29 =	simm.s32 $0x9;
	_ =	strace $0x80000048  }
0xb5: {  	_ =	swait.ge [sflag:s29], $0x1  }
0xb6: {  	[sflag:s29] =	ssyncadd.s32 $0xFFFFFFFF  }
0xb7: {  	_ =	strace $0x90000048  }
0xb8: {  	_ =	sfence  }
0xb9: {  	s30 =	sld [smem:$0x0];
	_ =	sdelay $0x2  }
0xba: {  	s31 =	sshll.u32 s1, $0xD;
	s1 =	sshrl.u32 s1, $0x2  }
0xbb: {  	s3 =	sand.u32 $0x4000, s31;
	s1 =	sadd.s32 s1, s30  }
0xbc: {  	s0 =	sor.u32 s3, s0;
	s1 =	sshll.u32 s1, $0x11  }
0xbd: {  	s0 =	sor.u32 s1, s0  }
0xbe: {  	s0 =	sadd.s32 $0x8F2B, s0  }
0xbf: {  	[sflag:s0] =	ssyncadd.remote.s32 $0x1  }
0xc0: {  	_ =	sfence.sel $0xFFFF  }
0xc1: {  	[dreg:$0x0] =	wrdreg $0xFFFFFFFF;
	(pc) =	sbr.abs _section_cstart, $3  }
0xc2: {  	[dreg:$0x1] =	wrdreg $0xFFFFFFFF  }
0xc3: {  	_ =	task.clear_ibuf [dreg:s8], $0x2FFFF;
	_ =	strace $0x9FFFFFFF  }
0xc4: {  	(tm) =	ssettm $0x7FFFFFFF  }
0xc5: {  	_ =	shalt  }
tec
execute0_lowered:
.L_overlay_start_1:
0x0: {  	(tag) =	ssettag $0x1  }
0x1: {  	s1 =	srdreg.scid  }
0x2: {  	s0 =	stileid.u32;
	s4 =	rddreg [dreg:$0x0]  }
0x3: {  	s2 =	rddreg [dreg:$0x1];
	s1 =	sand.u32 $0x1, s1;
	s3 =	sshll.u32 s0, $0x1  }
0x4: {  	s6 =	rddreg [dreg:$0x2];
	s5 =	sor.u32 s1, s3;
	s3 =	simm.s32 $0x0  }
0x5: {  	s13 =	simm.s32 $0x880;
	[smem:$0x7FF] =	sst s3  }
0x6: {  	s14 =	simm.s32 $0x1080;
	_ =	strace $0x80000047;
	[dreg:$0x6] =	wrdreg s13  }
0x7: {  	s15 =	simm.s32 $0x1880;
	[dreg:$0x7] =	wrdreg s14  }
0x8: {  	s16 =	simm.s32 $0x2080;
	s17 =	simm.s32 $0x2880;
	[dreg:$0x8] =	wrdreg s15  }
0x9: {  	s18 =	simm.s32 $0x3080;
	s19 =	simm.s32 $0x3880;
	[dreg:$0x9] =	wrdreg s16  }
0xa: {  	s21 =	simm.s32 $0x4080;
	s22 =	simm.s32 $0x4880;
	[dreg:$0xa] =	wrdreg s17  }
0xb: {  	s23 =	simm.s32 $0x5080;
	s24 =	simm.s32 $0x5880;
	[dreg:$0xb] =	wrdreg s18  }
0xc: {  	s8 =	simm.s32 $0x6080;
	s25 =	simm.s32 $0x6880;
	[dreg:$0xc] =	wrdreg s19  }
0xd: {  	s26 =	simm.s32 $0x7080;
	s9 =	simm.s32 $0x80;
	[dreg:$0xd] =	wrdreg s21  }
0xe: {  	s11 =	simm.s32 $0x8080;
	s28 =	simm.s32 $0x10080;
	[dreg:$0xe] =	wrdreg s22  }
0xf: {  	s29 =	simm.s32 $0x10880;
	s30 =	simm.s32 $0x11080;
	[dreg:$0xf] =	wrdreg s23  }
0x10: {  	s31 =	simm.s32 $0x11880;
	s1 =	ssub.s32 $0x2, s1;
	[dreg:$0x10] =	wrdreg s24  }
0x11: {  	s7 =	smul.u32 $0x9, s5;
	s20 =	sshrl.u32 s1, $0x1;
	[dreg:$0x11] =	wrdreg s8  }
0x12: {  	s5 =	smul.u32 $0x2400, s5;
	s1 =	ssub.s32 s1, s20;
	[dreg:$0x12] =	wrdreg s25  }
0x13: {  	s8 =	simm.s32 $0x2;
	[dreg:$0x13] =	wrdreg s26;
	s13 =	simm.s32 $0x9080  }
0x14: {  	s14 =	simm.s32 $0x9880;
	s15 =	simm.s32 $0xA080;
	s16 =	simm.s32 $0xA880  }
0x15: {  	s17 =	simm.s32 $0xB080;
	s18 =	simm.s32 $0xB880;
	s19 =	simm.s32 $0xC080  }
0x16: {  	s20 =	simm.s32 $0xC880;
	s21 =	simm.s32 $0xD080;
	s22 =	simm.s32 $0xD880  }
0x17: {  	s23 =	simm.s32 $0xE080;
	s24 =	simm.s32 $0xE880;
	s25 =	simm.s32 $0xF080  }
0x18: {  	s26 =	simm.s32 $0xF880;
	s4 =	sadd.s32 s7, s4;
	s12 =	sadd.s32 s6, s5  }
0x19: {  	v2 =	vlaneseq.u32;
	s5 =	sadd.s32 $0x200, s2;
	s6 =	sadd.s32 $0x300, s2;
	s7 =	smax.u32 s1, $0x1  }
0x1a: {  	vm0 =	vmmov $0xffff;
	v1 =	vshrl.u32 v2, $0x3;
	s1 =	simm.s32 $0x1;
	s4 =	sadd.s32 $0xE00, s4;
	[dreg:$0x5] =	wrdreg s12  }
0x1b: {  	v0 =	vand.u32 $0x7, v2;
	v2 =	vor.u32 $0x8, v2;
	v1 =	vmul.u32 $0x8, v1;
	s12 =	simm.s32 $0x8880;
	[dreg:$0x4] =	wrdreg s4;
	s4 =	sadd.s32 $0x100, s2  }
.LBB2_1:
0x1c: {  	s0 =	rddreg [dreg:$0x4]  }
0x1d: {  	[tilespmem:s3], [sflag:$0x2] =	stream.linear.gather [hbm4b:s0+s3], $0x48, $0x38;
	[tilespmem:$0x12080] =	vst v63  }
0x1e: {  	_ =	swait.ge [sflag:s8], $0x48  }
0x1f: {  	[sflag:s8] =	ssyncset.done $0x0  }
0x20: {  	[sflag:s8] =	ssyncadd.s32 $0xFFFFFFB8  }
0x21: {  	v3 =	vld [tilespmem:$0x0];
	_ =	sdelay $0x4  }
0x22: {  	v4 =	vshll.u32 v3, $0x3  }
0x23: {  	v3 =	vand.u32 $0x7, v3;
	v4 =	vand.u32 $0xFFFFFFC0, v4  }
0x24: {  	v3 =	vor.u32 v3, v4  }
0x25: {  	v4 =	vperm.xlane v3, v0;
	_ =	sdelay $0x1  }
0x26: {  	v4 =	vadd.s32 v1, v4;
	_ =	sdelay $0x4  }
0x27: {  	[tilespmem:s9], [sflag:$0x1] =	stream.indirect_vreg.gather [hbm4b:s2+s3], $0x80, v4, vm0, $0xb8;
	[tilespmem:$0x12080] =	vst v63  }
0x28: {  	s0 =	rddreg [dreg:$0x6];
	v3 =	vperm.xlane v3, v2  }
0x29: {  	[tilespmem:s0], [sflag:$0x1] =	stream.indirect_vreg.gather [hbm4b:s4+s3], $0x80, v4, vm0, $0xb8;
	[tilespmem:$0x12080] =	vst v63  }
0x2a: {  	s10 =	rddreg [dreg:$0x7];
	v3 =	vadd.s32 v1, v3  }
0x2b: {  	[tilespmem:s10], [sflag:$0x1] =	stream.indirect_vreg.gather [hbm4b:s5+s3], $0x80, v4, vm0, $0xb8;
	[tilespmem:$0x12080] =	vst v63  }
0x2c: {  	s0 =	rddreg [dreg:$0x8]  }
0x2d: {  	[tilespmem:s0], [sflag:$0x1] =	stream.indirect_vreg.gather [hbm4b:s6+s3], $0x80, v4, vm0, $0xb8;
	[tilespmem:$0x12080] =	vst v63  }
0x2e: {  	s10 =	rddreg [dreg:$0x9]  }
0x2f: {  	[tilespmem:s10], [sflag:$0x1] =	stream.indirect_vreg.gather [hbm4b:s2+s3], $0x80, v3, vm0, $0xb8;
	[tilespmem:$0x12080] =	vst v63  }
0x30: {  	s0 =	rddreg [dreg:$0xa]  }
0x31: {  	[tilespmem:s0], [sflag:$0x1] =	stream.indirect_vreg.gather [hbm4b:s4+s3], $0x80, v3, vm0, $0xb8;
	[tilespmem:$0x12080] =	vst v63  }
0x32: {  	s10 =	rddreg [dreg:$0xb]  }
0x33: {  	[tilespmem:s10], [sflag:$0x1] =	stream.indirect_vreg.gather [hbm4b:s5+s3], $0x80, v3, vm0, $0xb8;
	[tilespmem:$0x12080] =	vst v63  }
0x34: {  	s0 =	rddreg [dreg:$0xc]  }
0x35: {  	[tilespmem:s0], [sflag:$0x1] =	stream.indirect_vreg.gather [hbm4b:s6+s3], $0x80, v3, vm0, $0xb8;
	[tilespmem:$0x12080] =	vst v63  }
0x36: {  	v3 =	vld [tilespmem:$0x10];
	_ =	sdelay $0x4  }
0x37: {  	v60 =	vshll.u32 v3, $0x3  }
0x38: {  	v3 =	vand.u32 $0x7, v3;
	v4 =	vand.u32 $0xFFFFFFC0, v60  }
0x39: {  	v3 =	vor.u32 v3, v4  }
0x3a: {  	v4 =	vperm.xlane v3, v0;
	_ =	sdelay $0x1  }
0x3b: {  	v4 =	vadd.s32 v1, v4;
	_ =	sdelay $0x3  }
0x3c: {  	s0 =	rddreg [dreg:$0xd]  }
0x3d: {  	[tilespmem:s0], [sflag:$0x1] =	stream.indirect_vreg.gather [hbm4b:s2+s3], $0x80, v4, vm0, $0xb8;
	[tilespmem:$0x12080] =	vst v63  }
0x3e: {  	s10 =	rddreg [dreg:$0xe];
	v3 =	vperm.xlane v3, v2  }
0x3f: {  	[tilespmem:s10], [sflag:$0x1] =	stream.indirect_vreg.gather [hbm4b:s4+s3], $0x80, v4, vm0, $0xb8;
	[tilespmem:$0x12080] =	vst v63  }
0x40: {  	v3 =	vadd.s32 v1, v3;
	s0 =	rddreg [dreg:$0xf]  }
0x41: {  	[tilespmem:s0], [sflag:$0x1] =	stream.indirect_vreg.gather [hbm4b:s5+s3], $0x80, v4, vm0, $0xb8;
	[tilespmem:$0x12080] =	vst v63  }
0x42: {  	s10 =	rddreg [dreg:$0x10]  }
0x43: {  	[tilespmem:s10], [sflag:$0x1] =	stream.indirect_vreg.gather [hbm4b:s6+s3], $0x80, v4, vm0, $0xb8;
	[tilespmem:$0x12080] =	vst v63  }
0x44: {  	s0 =	rddreg [dreg:$0x11]  }
0x45: {  	[tilespmem:s0], [sflag:$0x1] =	stream.indirect_vreg.gather [hbm4b:s2+s3], $0x80, v3, vm0, $0xb8;
	[tilespmem:$0x12080] =	vst v63  }
0x46: {  	s10 =	rddreg [dreg:$0x12]  }
0x47: {  	[tilespmem:s10], [sflag:$0x1] =	stream.indirect_vreg.gather [hbm4b:s4+s3], $0x80, v3, vm0, $0xb8;
	[tilespmem:$0x12080] =	vst v63  }
0x48: {  	s0 =	rddreg [dreg:$0x13]  }
0x49: {  	[tilespmem:s0], [sflag:$0x1] =	stream.indirect_vreg.gather [hbm4b:s5+s3], $0x80, v3, vm0, $0xb8;
	[tilespmem:$0x12080] =	vst v63  }
0x4a: {  	s10 =	simm.s32 $0x7880  }
0x4b: {  	[tilespmem:s10], [sflag:$0x1] =	stream.indirect_vreg.gather [hbm4b:s6+s3], $0x80, v3, vm0, $0xb8;
	[tilespmem:$0x12080] =	vst v63  }
0x4c: {  	v3 =	vld [tilespmem:$0x20];
	_ =	sdelay $0x4  }
0x4d: {  	v61 =	vshll.u32 v3, $0x3  }
0x4e: {  	v3 =	vand.u32 $0x7, v3;
	v4 =	vand.u32 $0xFFFFFFC0, v61  }
0x4f: {  	v3 =	vor.u32 v3, v4  }
0x50: {  	v4 =	vperm.xlane v3, v0;
	_ =	sdelay $0x1  }
0x51: {  	v4 =	vadd.s32 v1, v4;
	_ =	sdelay $0x4  }
0x52: {  	[tilespmem:s11], [sflag:$0x1] =	stream.indirect_vreg.gather [hbm4b:s2+s3], $0x80, v4, vm0, $0xb8;
	[tilespmem:$0x12080] =	vst v63  }
0x53: {  	v3 =	vperm.xlane v3, v2  }
0x54: {  	[tilespmem:s12], [sflag:$0x1] =	stream.indirect_vreg.gather [hbm4b:s4+s3], $0x80, v4, vm0, $0xb8;
	[tilespmem:$0x12080] =	vst v63  }
0x55: {  	v3 =	vadd.s32 v1, v3  }
0x56: {  	[tilespmem:s13], [sflag:$0x1] =	stream.indirect_vreg.gather [hbm4b:s5+s3], $0x80, v4, vm0, $0xb8;
	[tilespmem:$0x12080] =	vst v63  }
0x57: {  	_ = 	snop  }
0x58: {  	[tilespmem:s14], [sflag:$0x1] =	stream.indirect_vreg.gather [hbm4b:s6+s3], $0x80, v4, vm0, $0xb8;
	[tilespmem:$0x12080] =	vst v63  }
0x59: {  	_ = 	snop  }
0x5a: {  	[tilespmem:s15], [sflag:$0x1] =	stream.indirect_vreg.gather [hbm4b:s2+s3], $0x80, v3, vm0, $0xb8;
	[tilespmem:$0x12080] =	vst v63  }
0x5b: {  	_ = 	snop  }
0x5c: {  	[tilespmem:s16], [sflag:$0x1] =	stream.indirect_vreg.gather [hbm4b:s4+s3], $0x80, v3, vm0, $0xb8;
	[tilespmem:$0x12080] =	vst v63  }
0x5d: {  	_ = 	snop  }
0x5e: {  	[tilespmem:s17], [sflag:$0x1] =	stream.indirect_vreg.gather [hbm4b:s5+s3], $0x80, v3, vm0, $0xb8;
	[tilespmem:$0x12080] =	vst v63  }
0x5f: {  	_ = 	snop  }
0x60: {  	[tilespmem:s18], [sflag:$0x1] =	stream.indirect_vreg.gather [hbm4b:s6+s3], $0x80, v3, vm0, $0xb8;
	[tilespmem:$0x12080] =	vst v63  }
0x61: {  	v3 =	vld [tilespmem:$0x30];
	_ =	sdelay $0x4  }
0x62: {  	v62 =	vshll.u32 v3, $0x3  }
0x63: {  	v3 =	vand.u32 $0x7, v3;
	v4 =	vand.u32 $0xFFFFFFC0, v62  }
0x64: {  	v3 =	vor.u32 v3, v4  }
0x65: {  	v4 =	vperm.xlane v3, v0;
	_ =	sdelay $0x1  }
0x66: {  	v4 =	vadd.s32 v1, v4;
	_ =	sdelay $0x4  }
0x67: {  	[tilespmem:s19], [sflag:$0x1] =	stream.indirect_vreg.gather [hbm4b:s2+s3], $0x80, v4, vm0, $0xb8;
	[tilespmem:$0x12080] =	vst v63  }
0x68: {  	v3 =	vperm.xlane v3, v2  }
0x69: {  	[tilespmem:s20], [sflag:$0x1] =	stream.indirect_vreg.gather [hbm4b:s4+s3], $0x80, v4, vm0, $0xb8;
	[tilespmem:$0x12080] =	vst v63  }
0x6a: {  	v3 =	vadd.s32 v1, v3  }
0x6b: {  	[tilespmem:s21], [sflag:$0x1] =	stream.indirect_vreg.gather [hbm4b:s5+s3], $0x80, v4, vm0, $0xb8;
	[tilespmem:$0x12080] =	vst v63  }
0x6c: {  	_ = 	snop  }
0x6d: {  	[tilespmem:s22], [sflag:$0x1] =	stream.indirect_vreg.gather [hbm4b:s6+s3], $0x80, v4, vm0, $0xb8;
	[tilespmem:$0x12080] =	vst v63  }
0x6e: {  	_ = 	snop  }
0x6f: {  	[tilespmem:s23], [sflag:$0x1] =	stream.indirect_vreg.gather [hbm4b:s2+s3], $0x80, v3, vm0, $0xb8;
	[tilespmem:$0x12080] =	vst v63  }
0x70: {  	_ = 	snop  }
0x71: {  	[tilespmem:s24], [sflag:$0x1] =	stream.indirect_vreg.gather [hbm4b:s4+s3], $0x80, v3, vm0, $0xb8;
	[tilespmem:$0x12080] =	vst v63  }
0x72: {  	_ = 	snop  }
0x73: {  	[tilespmem:s25], [sflag:$0x1] =	stream.indirect_vreg.gather [hbm4b:s5+s3], $0x80, v3, vm0, $0xb8;
	[tilespmem:$0x12080] =	vst v63  }
0x74: {  	_ = 	snop  }
0x75: {  	[tilespmem:s26], [sflag:$0x1] =	stream.indirect_vreg.gather [hbm4b:s6+s3], $0x80, v3, vm0, $0xb8;
	[tilespmem:$0x12080] =	vst v63  }
0x76: {  	v3 =	vld.msk [tilespmem:$0x40], $0xff;
	_ =	sdelay $0x4  }
0x77: {  	v63 =	vshll.u32 v3, $0x3  }
0x78: {  	v3 =	vand.u32 $0x7, v3;
	v4 =	vand.u32 $0xFFFFFFC0, v63  }
0x79: {  	v3 =	vor.u32 v3, v4  }
0x7a: {  	v3 =	vperm.xlane v3, v0;
	_ =	sdelay $0x1  }
0x7b: {  	v3 =	vadd.s32 v1, v3;
	_ =	sdelay $0x4  }
0x7c: {  	[tilespmem:s28], [sflag:$0x1] =	stream.indirect_vreg.gather [hbm4b:s2+s3], $0x80, v3, vm0, $0xb8;
	[tilespmem:$0x12080] =	vst v63  }
0x7d: {  	_ = 	snop  }
0x7e: {  	[tilespmem:s29], [sflag:$0x1] =	stream.indirect_vreg.gather [hbm4b:s4+s3], $0x80, v3, vm0, $0xb8;
	[tilespmem:$0x12080] =	vst v63  }
0x7f: {  	_ = 	snop  }
0x80: {  	[tilespmem:s30], [sflag:$0x1] =	stream.indirect_vreg.gather [hbm4b:s5+s3], $0x80, v3, vm0, $0xb8;
	[tilespmem:$0x12080] =	vst v63  }
0x81: {  	_ = 	snop  }
0x82: {  	[tilespmem:s31], [sflag:$0x1] =	stream.indirect_vreg.gather [hbm4b:s6+s3], $0x80, v3, vm0, $0xb8;
	[tilespmem:$0x12080] =	vst v63  }
0x83: {  	_ =	swait.ge [sflag:s1], $0x12000  }
0x84: {  	p0 =	sne.s32 s7, $0x1;
	[sflag:s1] =	ssyncset.done $0x0  }
.Ltmp0:
0x85: {  	s10 =	rddreg [dreg:$0x5];
	[sflag:s1] =	ssyncadd.s32 $0xFFFEE000;
	(pc) =	sbr.rel @p0 .LBB2_1-.Ltmp0, $4  }
0x86: {  	[hbm4b:s10+s3] =	stream.linear.scatter [tilespmem:s9], [sflag:$0x2], $0x12000, $0x38;
	[tilespmem:$0x12080] =	vst v63  }
0x87: {  	_ =	swait.ge [sflag:s8], $0x12000  }
0x88: {  	[sflag:s8] =	ssyncset.done $0x0  }
0x89: {  	s7 =	sadd.s32 $0xFFFFFFFF, s7;
	[sflag:s8] =	ssyncadd.s32 $0xFFFEE000  }
0x8a: {  	_ =	sfence.sel $0x180000  }
0x8b: {  	[bflag:$0x0] =	sbarrier.arrive $0xFFFF  }
0x8c: {  	_ =	strace $0x90000047  }
0x8d: {  	s0 =	stileid.u32;
	[bflag:$0x2] =	sbarrier.arrive $0xFFFF  }
0x8e: {  	p0 =	sne.s32 s0, $0x0;
	s0 =	rddreg [dreg:$0x3]  }
0x8f: {  	s0 =	sadd.s32 @!p0 $0x100000, s0  }
0x90: {  	[sflag:s0] =	ssyncadd.tile.s32 @!p0 $0x1;
	_ =	shalt  }
.Lfunc_end2:
_tile_overlayer_lowered:
.L_overlay_start_2:
0x91: {  	(tag) =	ssettag $0x2  }
0x92: {  	s0 =	rddreg [dreg:$0x0];
	s2 =	stileid.u32  }
0x93: {  	s1 =	rddreg [dreg:$0x1];
	p0 =	sne.s32 s2, $0x0  }
0x94: {  	s3 =	rddreg [dreg:$0x2];
	[bflag:$0x3] =	sbarrier.arrive $0xFFFF;
	s2 =	simm.s32 @!p0 $0x1C02  }
0x95: {  	[timem:s3], [sflag:s2] =	dma.local @!p0 [hbm:s0], s1  }
0x96: {  	s0 =	simm.s32 @!p0 $0x2  }
0x97: {  	_ =	swait.ge @!p0 [sflag:s0], s1  }
0x98: {  	s1 =	ssub.s32 @!p0 $0x0, s1;
	[sflag:s0] =	ssyncset.done @!p0 $0x0  }
0x99: {  	[sflag:s0] =	ssyncadd.s32 @!p0 s1  }
0x9a: {  	[bflag:$0x3] =	sbarrier.arrive $0xFFFF  }
0x9b: {  	_ =	shalt  }

</sc_bundles>
